<compile_context>
chip_gen: v7x
topology: tpu7x:2x2x1
jax: 0.10.2.dev20260603
libtpu: 0.0.44.dev20260713+nightly
codegen_flags: <defaults>
</compile_context>

<pallas_src>
import functools

import jax
import jax.numpy as jnp
from jax import lax
from jax.experimental import pallas as pl
from jax.experimental.pallas import tpu as pltpu
from jax.experimental.pallas import tpu_sc as plsc
from jax.experimental import layout as jlayout

NBINS = 5
H = 480
W = 640
B = 8
N = 1_000_000
HWSZ = H * W
G = NBINS * HWSZ

NSUB = 16
NCORE = 2
BATCH_PER_CORE = B // NCORE
CHUNK = 1600
EVN = CHUNK * 4
NCHUNKS = N // CHUNK
VECS = CHUNK // 16
ROWS = 2 * CHUNK // 128
STRIPE = G // NSUB
ZCHUNK = 6_000


def _make_sc_kernel():
    mesh = plsc.VectorSubcoreMesh(core_axis_name="c", subcore_axis_name="s")

    @functools.partial(
        pl.kernel,
        out_type=jax.ShapeDtypeStruct((B, G), jnp.float32),
        mesh=mesh,
        scratch_types=[
            pltpu.VMEM((2 * EVN,), jnp.float32),
            pltpu.VMEM((2 * ROWS, 128), jnp.int32),
            pltpu.VMEM((2 * ROWS, 128), jnp.float32),
            pltpu.VMEM((ZCHUNK,), jnp.float32),
            pltpu.VMEM((16,), jnp.float32),
            pltpu.VMEM_SHARED((G,), jnp.float32),
            pltpu.SemaphoreType.DMA,
            pltpu.SemaphoreType.DMA,
        ],
        compiler_params=pltpu.CompilerParams(needs_layout_passes=False),
    )
    def voxel_sc(ev_hbm, stamps_hbm, out_hbm, ev_v, idx_v, val_v, zbuf,
                 stamps_v, grid, ev_sem, sc_sem):
        c = lax.axis_index("c")
        s = lax.axis_index("s")

        def zb(i, carry):
            zbuf[pl.ds(i * 16, 16)] = jnp.zeros((16,), jnp.float32)
            return carry
        lax.fori_loop(0, ZCHUNK // 16, zb, 0)
        pltpu.sync_copy(stamps_hbm, stamps_v)

        lanes = lax.broadcasted_iota(jnp.int32, (16,), 0)

        def batch_body(bi, carry):
            b = c * BATCH_PER_CORE + bi
            def zg(j, cc):
                pltpu.sync_copy(
                    zbuf, grid.at[pl.ds(s * STRIPE + j * ZCHUNK, ZCHUNK)])
                return cc
            lax.fori_loop(0, STRIPE // ZCHUNK, zg, 0)
            plsc.subcore_barrier()

            b2 = lanes * 0 + b * 2
            first = plsc.load_gather(stamps_v, [b2])
            last = plsc.load_gather(stamps_v, [b2 + 1])
            d0 = last - first
            dT = jnp.where(d0 == 0.0, jnp.float32(1.0), d0)
            recip = jnp.float32(1.0) / dT
            first4 = first * jnp.float32(4.0)

            ntrips = jnp.where(s == 0, NCHUNKS // NSUB + 1, NCHUNKS // NSUB)

            def ev_copy(k, p):
                start = (k * NSUB + s) * EVN
                return pltpu.make_async_copy(
                    ev_hbm.at[b, pl.ds(start, EVN)],
                    ev_v.at[pl.ds(p * EVN, EVN)], ev_sem)

            def compute_vec(v, eoff, ioff):
                rows4 = eoff + v * 64 + lanes * 4
                t = plsc.load_gather(ev_v, [rows4])
                x = plsc.load_gather(ev_v, [rows4 + 1])
                y = plsc.load_gather(ev_v, [rows4 + 2])
                p = plsc.load_gather(ev_v, [rows4 + 3])
                ts = (t * jnp.float32(4.0) - first4) * recip
                trunc = ts.astype(jnp.int32)
                tf = trunc.astype(jnp.float32)
                ti = jnp.where(ts < tf, trunc - 1, trunc)
                dts = ts - ti.astype(jnp.float32)
                pol = jnp.where(p == 0.0, jnp.float32(-1.0), p)
                vl = pol * (jnp.float32(1.0) - dts)
                vr = pol * dts
                sidx = x.astype(jnp.int32) + y.astype(jnp.int32) * W
                ok = ti >= 0
                m1 = ok & (ti < NBINS)
                m2 = ok & (ti < NBINS - 1)
                ti1 = jnp.clip(ti, 0, NBINS - 1)
                ti2 = jnp.clip(ti + 1, 0, NBINS - 1)
                i1 = sidx + ti1 * HWSZ
                i2 = sidx + ti2 * HWSZ
                v1 = jnp.where(m1, vl, jnp.float32(0.0))
                v2 = jnp.where(m2, vr, jnp.float32(0.0))
                r = ioff + (v >> 2)
                col = (v & 3) * 32
                idx_v[r, pl.ds(col, 16)] = i1
                idx_v[r, pl.ds(col + 16, 16)] = i2
                val_v[r, pl.ds(col, 16)] = v1
                val_v[r, pl.ds(col + 16, 16)] = v2

            def fire(j, ioff):
                pltpu.async_copy(
                    val_v.at[ioff + j], grid.at[idx_v.at[ioff + j]],
                    sc_sem, add=True)

            def drain(j, ioff):
                pltpu.make_async_copy(
                    val_v.at[ioff + j], grid.at[idx_v.at[ioff + j]],
                    sc_sem).wait()

            ev_copy(0, 0).start()

            def do_chunk(k, cc):
                p = k & 1
                eoff = p * EVN
                ioff = p * ROWS
                ev_copy(k, p).wait()

                @pl.when(k + 1 < ntrips)
                def _():
                    ev_copy(k + 1, 1 - p).start()

                def cv(v, c2):
                    compute_vec(v, eoff, ioff)
                    return c2
                lax.fori_loop(0, VECS, cv, 0, unroll=4)

                @pl.when(k >= 1)
                def _():
                    def dr(j, c3):
                        drain(j, (1 - p) * ROWS)
                        return c3
                    lax.fori_loop(0, ROWS, dr, 0)

                def fi(j, c3):
                    fire(j, ioff)
                    return c3
                lax.fori_loop(0, ROWS, fi, 0)
                return cc

            lax.fori_loop(0, ntrips, do_chunk, 0)

            last_ioff = ((ntrips - 1) & 1) * ROWS

            def drl(j, cc):
                drain(j, last_ioff)
                return cc
            lax.fori_loop(0, ROWS, drl, 0)

            plsc.subcore_barrier()
            pltpu.sync_copy(grid.at[pl.ds(s * STRIPE, STRIPE)],
                            out_hbm.at[b, pl.ds(s * STRIPE, STRIPE)])
            plsc.subcore_barrier()
            return carry

        lax.fori_loop(0, BATCH_PER_CORE, batch_body, 0)

    return voxel_sc


_voxel_sc = _make_sc_kernel()


@jax.jit
def _run(events_list):
    stamps = jnp.stack(
        [events_list[:, 0, 0], events_list[:, N - 1, 0]], axis=1)
    ev2 = events_list.reshape(B, N * 4)
    out = _voxel_sc(ev2, stamps.reshape(16))
    return out.reshape(B, NBINS, H, W)


def kernel(events_list, device):
    return _run(events_list)

# --- scband reference (transcript-rebuilt; emitter-appended) ---
"""Pipeline reference for scband-rpgvoxel-grid-surface-46626164966021 (READ-ONLY COPY).

The authoritative reference and input builder live on the scoring server;
editing this copy changes nothing except your own understanding.
"""

import jax, jax.numpy as jnp
import numpy as np

NUM_BINS = 5
H = 480
W = 640
B = 8
N = 1000000


def setup_inputs(seed: int = 0) -> dict:
    key = jax.random.key(seed)
    # events: [B, N, 4] columns are (t, x, y, p); values in [0, 480) keep x<W and y<H valid
    events = jax.random.randint(key, (B, N, 4), 0, 480).astype(jnp.float32)
    return {"events_list": events, "device": 0}


def _events_to_voxel_grid(events):
    num_bins, height, width = NUM_BINS, H, W
    first_stamp = events[0, 0]
    last_stamp = events[-1, 0]
    deltaT = last_stamp - first_stamp
    deltaT = jnp.where(deltaT == 0, jnp.float32(1.0), deltaT)
    ts = (num_bins - 1) * (events[:, 0] - first_stamp) / deltaT
    xs = events[:, 1].astype(jnp.int32)
    ys = events[:, 2].astype(jnp.int32)
    pols = events[:, 3].astype(jnp.float32)
    pols = jnp.where(pols == 0, jnp.float32(-1.0), pols)
    tis = jnp.floor(ts)
    tis_long = tis.astype(jnp.int32)
    dts = ts - tis
    vals_left = pols * (1.0 - dts.astype(jnp.float32))
    vals_right = pols * dts.astype(jnp.float32)
    voxel_grid = jnp.zeros(num_bins * height * width, dtype=jnp.float32)

    valid1 = (tis < num_bins) & (tis >= 0)
    idx1 = xs + ys * width + tis_long * (width * height)
    voxel_grid = voxel_grid.at[jnp.where(valid1, idx1, 0)].add(
        jnp.where(valid1, vals_left, jnp.float32(0.0)))

    valid2 = ((tis + 1) < num_bins) & (tis >= 0)
    idx2 = xs + ys * width + (tis_long + 1) * (width * height)
    voxel_grid = voxel_grid.at[jnp.where(valid2, idx2, 0)].add(
        jnp.where(valid2, vals_right, jnp.float32(0.0)))

    return voxel_grid.reshape(num_bins, height, width)


def reference(events_list, device):
    # device arg is unused in the original forward body
    voxel_grids = jax.vmap(_events_to_voxel_grid)(events_list)
    return voxel_grids

if __name__ == "__main__":
    import jax
    _d = setup_inputs()
    print(jax.jit(kernel)(*tuple(_d.values())))

</pallas_src>

<mosaic_0001>
#map = affine_map<(d0, d1) -> (0, 0)>
#map1 = affine_map<(d0, d1) -> (0)>
module attributes {stable_mosaic.version = 14 : i64} {
  func.func @voxel_sc(%arg0: i32, %arg1: i32, %arg2: memref<8x4000000xf32, #tpu.memory_space<hbm>>, %arg3: memref<16xf32, #tpu.memory_space<hbm>>, %arg4: memref<8x1536000xf32, #tpu.memory_space<hbm>>, %arg5: memref<12800xf32, #tpu.memory_space<vmem>>, %arg6: memref<50x128xi32, #tpu.memory_space<vmem>>, %arg7: memref<50x128xf32, #tpu.memory_space<vmem>>, %arg8: memref<6000xf32, #tpu.memory_space<vmem>>, %arg9: memref<16xf32, #tpu.memory_space<vmem>>, %arg10: memref<1536000xf32, #tpu.memory_space<vmem_shared>>, %arg11: memref<!tpu.dma_semaphore, #tpu.memory_space<semaphore_mem>>, %arg12: memref<!tpu.dma_semaphore, #tpu.memory_space<semaphore_mem>>) attributes {dimension_semantics = [#tpu.dimension_semantics<core_parallel>, #tpu.dimension_semantics<subcore_parallel>], iteration_bounds = array<i64: 2, 16>, scalar_prefetch = 0 : i64, scratch_operands = 8 : i64, tpu.core_type = #tpu.core_type<sc_vector_subcore>, window_params = [{transform_indices = #map}, {transform_indices = #map1}, {transform_indices = #map}]} {
    %scan3A = arith.constant 0 : i32
    %scan3A_0 = arith.constant 0 : i32
    %scan3A_1 = arith.constant 375 : i32
    %scan3A_2 = arith.addi %scan3A_0, %scan3A_1 : i32
    %scan3A_3 = arith.constant 1 : i32
    scf.for %scan3A_11 = %scan3A_0 to %scan3A_2 step %scan3A_3  : i32 {
      %broadcast_in_dim3A = arith.constant 0.000000e+00 : f32
      %broadcast_in_dim3A_12 = vector.broadcast %broadcast_in_dim3A : f32 to vector<16xf32>
      %mul3A = arith.constant 16 : i32
      %mul3A_13 = arith.muli %scan3A_11, %mul3A : i32
      %swap3A = arith.index_cast %mul3A_13 : i32 to index
      %swap3A_14 = tpu.vector_load %arg8[%swap3A] {strides = array<i32>} : memref<6000xf32, #tpu.memory_space<vmem>>, vector<16xf32>,
      tpu.vector_store %arg8[%swap3A], %broadcast_in_dim3A_12 {strides = array<i32>} : memref<6000xf32, #tpu.memory_space<vmem>>, vector<16xf32>,
    }
    %scan3A_4 = arith.constant 375 : i32
    "tpu.region"() ({
      %run_scoped3A = tpu.sem_alloc : memref<!tpu.dma_semaphore, #tpu.memory_space<semaphore_mem>>
      tpu.enqueue_dma source(%arg3 : memref<16xf32, #tpu.memory_space<hbm>>) target(%arg9 : memref<16xf32, #tpu.memory_space<vmem>>) target_semaphore(%run_scoped3A : memref<!tpu.dma_semaphore, #tpu.memory_space<semaphore_mem>>)
      tpu.wait_dma2 semaphore(%run_scoped3A : memref<!tpu.dma_semaphore, #tpu.memory_space<semaphore_mem>>) src(%arg3 : memref<16xf32, #tpu.memory_space<hbm>>) dst(%arg9 : memref<16xf32, #tpu.memory_space<vmem>>)
      tpu.yield
    }) : () -> ()
    %iota3A = tpu.iota {dimensions = array<i32: 0>} : vector<16xi32>
    %scan3A_5 = arith.constant 0 : i32
    %scan3A_6 = arith.constant 0 : i32
    %scan3A_7 = arith.constant 4 : i32
    %scan3A_8 = arith.addi %scan3A_6, %scan3A_7 : i32
    %scan3A_9 = arith.constant 1 : i32
    scf.for %scan3A_11 = %scan3A_6 to %scan3A_8 step %scan3A_9  : i32 {
      %mul3A = arith.constant 4 : i32
      %mul3A_12 = arith.muli %arg0, %mul3A : i32
      %add3A = arith.addi %mul3A_12, %scan3A_11 : i32
      %scan3A_13 = arith.constant 0 : i32
      %scan3A_14 = arith.constant 0 : i32
      %scan3A_15 = arith.constant 16 : i32
      %scan3A_16 = arith.addi %scan3A_14, %scan3A_15 : i32
      %scan3A_17 = arith.constant 1 : i32
      scf.for %scan3A_79 = %scan3A_14 to %scan3A_16 step %scan3A_17  : i32 {
        %mul3A_80 = arith.constant 96000 : i32
        %mul3A_81 = arith.muli %arg1, %mul3A_80 : i32
        %mul3A_82 = arith.constant 6000 : i32
        %mul3A_83 = arith.muli %scan3A_79, %mul3A_82 : i32
        %add3A_84 = arith.addi %mul3A_81, %mul3A_83 : i32
        "tpu.region"() ({
          %run_scoped3A = tpu.sem_alloc : memref<!tpu.dma_semaphore, #tpu.memory_space<semaphore_mem>>
          %dma_start3A_85 = tpu.memref_slice %arg10[%add3A_84] : memref<1536000xf32, #tpu.memory_space<vmem_shared>> -> memref<6000xf32, #tpu.memory_space<vmem_shared>>
          %dma_start3A_86 = tpu.memref_slice %arg10[%add3A_84] : memref<1536000xf32, #tpu.memory_space<vmem_shared>> -> memref<6000xf32, #tpu.memory_space<vmem_shared>>
          tpu.enqueue_dma source(%arg8 : memref<6000xf32, #tpu.memory_space<vmem>>) target(%dma_start3A_86 : memref<6000xf32, #tpu.memory_space<vmem_shared>>) target_semaphore(%run_scoped3A : memref<!tpu.dma_semaphore, #tpu.memory_space<semaphore_mem>>)
          %dma_wait3A = tpu.memref_slice %arg10[%add3A_84] : memref<1536000xf32, #tpu.memory_space<vmem_shared>> -> memref<6000xf32, #tpu.memory_space<vmem_shared>>
          %dma_wait3A_87 = tpu.memref_slice %arg10[%add3A_84] : memref<1536000xf32, #tpu.memory_space<vmem_shared>> -> memref<6000xf32, #tpu.memory_space<vmem_shared>>
          tpu.wait_dma2 semaphore(%run_scoped3A : memref<!tpu.dma_semaphore, #tpu.memory_space<semaphore_mem>>) src(%arg8 : memref<6000xf32, #tpu.memory_space<vmem>>) dst(%dma_wait3A_87 : memref<6000xf32, #tpu.memory_space<vmem_shared>>)
          tpu.yield
        }) : () -> ()
      }
      %scan3A_18 = arith.constant 16 : i32
      %barrier3A = arith.constant 0 : index
      tpu.barrier barrier_id(%barrier3A)
      %mul3A_19 = arith.constant 0 : i32
      %mul3A_20 = vector.broadcast %mul3A_19 : i32 to vector<16xi32>
      %mul3A_21 = arith.muli %iota3A, %mul3A_20 : vector<16xi32>
      %mul3A_22 = arith.constant 2 : i32
      %mul3A_23 = arith.muli %add3A, %mul3A_22 : i32
      %add3A_24 = vector.broadcast %mul3A_23 : i32 to vector<16xi32>
      %add3A_25 = arith.addi %mul3A_21, %add3A_24 : vector<16xi32>
      %gather3A = tpu.vector_load_idx %arg9[%add3A_25] : memref<16xf32, #tpu.memory_space<vmem>>[vector<16xi32>], vector<16xf32>,
      %add3A_26 = arith.constant 1 : i32
      %add3A_27 = vector.broadcast %add3A_26 : i32 to vector<16xi32>
      %add3A_28 = arith.addi %add3A_25, %add3A_27 : vector<16xi32>
      %gather3A_29 = tpu.vector_load_idx %arg9[%add3A_28] : memref<16xf32, #tpu.memory_space<vmem>>[vector<16xi32>], vector<16xf32>,
      %sub3A = arith.subf %gather3A_29, %gather3A : vector<16xf32>
      %eq3A = arith.constant 0.000000e+00 : f32
      %eq3A_30 = vector.broadcast %eq3A : f32 to vector<16xf32>
      %eq3A_31 = arith.cmpf oeq, %sub3A, %eq3A_30 : vector<16xf32>
      %jit3A = arith.constant 1.000000e+00 : f32
      %broadcast_in_dim3A = vector.broadcast %jit3A : f32 to vector<16xf32>
      %select_n3A = arith.select %eq3A_31, %broadcast_in_dim3A, %sub3A : vector<16xi1>, vector<16xf32>
      %div3A = arith.constant 1.000000e+00 : f32
      %div3A_32 = vector.broadcast %div3A : f32 to vector<16xf32>
      %div3A_33 = arith.divf %div3A_32, %select_n3A : vector<16xf32>
      %mul3A_34 = arith.constant 4.000000e+00 : f32
      %mul3A_35 = vector.broadcast %mul3A_34 : f32 to vector<16xf32>
      %mul3A_36 = arith.mulf %gather3A, %mul3A_35 : vector<16xf32>
      %eq3A_37 = arith.constant 0 : i32
      %eq3A_38 = arith.cmpi eq, %arg1, %eq3A_37 : i32
      %jit3A_39 = arith.constant 40 : i32
      %jit3A_40 = arith.constant 39 : i32
      %select_n3A_41 = arith.select %eq3A_38, %jit3A_39, %jit3A_40 : i32
      %add3A_42 = arith.constant 0 : i32
      %add3A_43 = arith.addi %add3A_42, %arg1 : i32
      %mul3A_44 = arith.constant 6400 : i32
      %mul3A_45 = arith.muli %add3A_43, %mul3A_44 : i32
      %dma_start3A = arith.constant 0 : i32
      %dma_start3A_46 = tpu.memref_slice %arg5[%dma_start3A] : memref<12800xf32, #tpu.memory_space<vmem>> -> memref<6400xf32, #tpu.memory_space<vmem>>
      %dma_start3A_47 = tpu.memref_slice %arg2[%add3A, %mul3A_45] : memref<8x4000000xf32, #tpu.memory_space<hbm>> -> memref<1x6400xf32, #tpu.memory_space<hbm>>
      %dma_start3A_48 = tpu.memref_squeeze %dma_start3A_47 : memref<1x6400xf32, #tpu.memory_space<hbm>> -> memref<6400xf32, #tpu.memory_space<hbm>>
      %dma_start3A_49 = arith.constant 0 : i32
      %dma_start3A_50 = tpu.memref_slice %arg5[%dma_start3A_49] : memref<12800xf32, #tpu.memory_space<vmem>> -> memref<6400xf32, #tpu.memory_space<vmem>>
      %dma_start3A_51 = tpu.memref_slice %arg2[%add3A, %mul3A_45] : memref<8x4000000xf32, #tpu.memory_space<hbm>> -> memref<1x6400xf32, #tpu.memory_space<hbm>>
      %dma_start3A_52 = tpu.memref_squeeze %dma_start3A_51 : memref<1x6400xf32, #tpu.memory_space<hbm>> -> memref<6400xf32, #tpu.memory_space<hbm>>
      tpu.enqueue_dma source(%dma_start3A_52 : memref<6400xf32, #tpu.memory_space<hbm>>) target(%dma_start3A_50 : memref<6400xf32, #tpu.memory_space<vmem>>) target_semaphore(%arg11 : memref<!tpu.dma_semaphore, #tpu.memory_space<semaphore_mem>>)
      %while3A = arith.constant 0 : i32
      %while3A_53 = arith.constant 0 : i32
      %while3A_54 = arith.subi %select_n3A_41, %while3A_53 : i32
      %while3A_55 = arith.addi %while3A_53, %while3A_54 : i32
      %while3A_56 = arith.constant 1 : i32
      %while3A_57 = arith.divsi %while3A_54, %while3A_56 : i32
      %while3A_58 = arith.muli %while3A_57, %while3A_56 : i32
      %while3A_59 = arith.addi %while3A_53, %while3A_58 : i32
      %while3A_60 = arith.constant 1 : i32
      scf.for %while3A_79 = %while3A_53 to %while3A_59 step %while3A_60  : i32 {
        %and3A_80 = arith.constant 1 : i32
        %and3A_81 = arith.andi %while3A_79, %and3A_80 : i32
        %mul3A_82 = arith.constant 6400 : i32
        %mul3A_83 = arith.muli %and3A_81, %mul3A_82 : i32
        %mul3A_84 = arith.constant 25 : i32
        %mul3A_85 = arith.muli %and3A_81, %mul3A_84 : i32
        %mul3A_86 = arith.constant 16 : i32
        %mul3A_87 = arith.muli %while3A_79, %mul3A_86 : i32
        %add3A_88 = arith.addi %mul3A_87, %arg1 : i32
        %mul3A_89 = arith.constant 6400 : i32
        %mul3A_90 = arith.muli %add3A_88, %mul3A_89 : i32
        %mul3A_91 = arith.constant 6400 : i32
        %mul3A_92 = arith.muli %and3A_81, %mul3A_91 : i32
        %dma_wait3A = tpu.memref_slice %arg5[%mul3A_92] : memref<12800xf32, #tpu.memory_space<vmem>> -> memref<6400xf32, #tpu.memory_space<vmem>>
        %dma_wait3A_93 = tpu.memref_slice %arg2[%add3A, %mul3A_90] : memref<8x4000000xf32, #tpu.memory_space<hbm>> -> memref<1x6400xf32, #tpu.memory_space<hbm>>
        %dma_wait3A_94 = tpu.memref_squeeze %dma_wait3A_93 : memref<1x6400xf32, #tpu.memory_space<hbm>> -> memref<6400xf32, #tpu.memory_space<hbm>>
        %dma_wait3A_95 = tpu.memref_slice %arg5[%mul3A_92] : memref<12800xf32, #tpu.memory_space<vmem>> -> memref<6400xf32, #tpu.memory_space<vmem>>
        %dma_wait3A_96 = tpu.memref_slice %arg2[%add3A, %mul3A_90] : memref<8x4000000xf32, #tpu.memory_space<hbm>> -> memref<1x6400xf32, #tpu.memory_space<hbm>>
        %dma_wait3A_97 = tpu.memref_squeeze %dma_wait3A_96 : memref<1x6400xf32, #tpu.memory_space<hbm>> -> memref<6400xf32, #tpu.memory_space<hbm>>
        tpu.wait_dma2 semaphore(%arg11 : memref<!tpu.dma_semaphore, #tpu.memory_space<semaphore_mem>>) src(%dma_wait3A_97 : memref<6400xf32, #tpu.memory_space<hbm>>) dst(%dma_wait3A_95 : memref<6400xf32, #tpu.memory_space<vmem>>)
        %add3A_98 = arith.constant 1 : i32
        %add3A_99 = arith.addi %while3A_79, %add3A_98 : i32
        %lt3A = arith.cmpi slt, %add3A_99, %select_n3A_41 : i32
        %convert_element_type3A = arith.extui %lt3A : i1 to i32
        %cond3A = arith.constant 0 : i32
        %cond3A_100 = arith.cmpi ne, %convert_element_type3A, %cond3A : i32
        scf.if %cond3A_100 {
          %add3A_117 = arith.constant 1 : i32
          %add3A_118 = arith.addi %while3A_79, %add3A_117 : i32
          %sub3A_119 = arith.constant 1 : i32
          %sub3A_120 = arith.subi %sub3A_119, %and3A_81 : i32
          %mul3A_121 = arith.constant 16 : i32
          %mul3A_122 = arith.muli %add3A_118, %mul3A_121 : i32
          %add3A_123 = arith.addi %mul3A_122, %arg1 : i32
          %mul3A_124 = arith.constant 6400 : i32
          %mul3A_125 = arith.muli %add3A_123, %mul3A_124 : i32
          %mul3A_126 = arith.constant 6400 : i32
          %mul3A_127 = arith.muli %sub3A_120, %mul3A_126 : i32
          %dma_start3A_128 = tpu.memref_slice %arg5[%mul3A_127] : memref<12800xf32, #tpu.memory_space<vmem>> -> memref<6400xf32, #tpu.memory_space<vmem>>
          %dma_start3A_129 = tpu.memref_slice %arg2[%add3A, %mul3A_125] : memref<8x4000000xf32, #tpu.memory_space<hbm>> -> memref<1x6400xf32, #tpu.memory_space<hbm>>
          %dma_start3A_130 = tpu.memref_squeeze %dma_start3A_129 : memref<1x6400xf32, #tpu.memory_space<hbm>> -> memref<6400xf32, #tpu.memory_space<hbm>>
          %dma_start3A_131 = tpu.memref_slice %arg5[%mul3A_127] : memref<12800xf32, #tpu.memory_space<vmem>> -> memref<6400xf32, #tpu.memory_space<vmem>>
          %dma_start3A_132 = tpu.memref_slice %arg2[%add3A, %mul3A_125] : memref<8x4000000xf32, #tpu.memory_space<hbm>> -> memref<1x6400xf32, #tpu.memory_space<hbm>>
          %dma_start3A_133 = tpu.memref_squeeze %dma_start3A_132 : memref<1x6400xf32, #tpu.memory_space<hbm>> -> memref<6400xf32, #tpu.memory_space<hbm>>
          tpu.enqueue_dma source(%dma_start3A_133 : memref<6400xf32, #tpu.memory_space<hbm>>) target(%dma_start3A_131 : memref<6400xf32, #tpu.memory_space<vmem>>) target_semaphore(%arg11 : memref<!tpu.dma_semaphore, #tpu.memory_space<semaphore_mem>>)
        } else {
        }
        %scan3A_101 = arith.constant 0 : i32
        %scan3A_102 = arith.constant 0 : i32
        %scan3A_103 = arith.constant 100 : i32
        %scan3A_104 = arith.addi %scan3A_102, %scan3A_103 : i32
        %scan3A_105 = arith.constant 4 : i32
        scf.for %scan3A_117 = %scan3A_102 to %scan3A_104 step %scan3A_105  : i32 {
          %mul3A_118 = arith.constant 64 : i32
          %mul3A_119 = arith.muli %scan3A_117, %mul3A_118 : i32
          %add3A_120 = arith.addi %mul3A_83, %mul3A_119 : i32
          %mul3A_121 = arith.constant 4 : i32
          %mul3A_122 = vector.broadcast %mul3A_121 : i32 to vector<16xi32>
          %mul3A_123 = arith.muli %iota3A, %mul3A_122 : vector<16xi32>
          %add3A_124 = vector.broadcast %add3A_120 : i32 to vector<16xi32>
          %add3A_125 = arith.addi %add3A_124, %mul3A_123 : vector<16xi32>
          %gather3A_126 = tpu.vector_load_idx %arg5[%add3A_125] : memref<12800xf32, #tpu.memory_space<vmem>>[vector<16xi32>], vector<16xf32>,
          %add3A_127 = arith.constant 1 : i32
          %add3A_128 = vector.broadcast %add3A_127 : i32 to vector<16xi32>
          %add3A_129 = arith.addi %add3A_125, %add3A_128 : vector<16xi32>
          %gather3A_130 = tpu.vector_load_idx %arg5[%add3A_129] : memref<12800xf32, #tpu.memory_space<vmem>>[vector<16xi32>], vector<16xf32>,
          %add3A_131 = arith.constant 2 : i32
          %add3A_132 = vector.broadcast %add3A_131 : i32 to vector<16xi32>
          %add3A_133 = arith.addi %add3A_125, %add3A_132 : vector<16xi32>
          %gather3A_134 = tpu.vector_load_idx %arg5[%add3A_133] : memref<12800xf32, #tpu.memory_space<vmem>>[vector<16xi32>], vector<16xf32>,
          %add3A_135 = arith.constant 3 : i32
          %add3A_136 = vector.broadcast %add3A_135 : i32 to vector<16xi32>
          %add3A_137 = arith.addi %add3A_125, %add3A_136 : vector<16xi32>
          %gather3A_138 = tpu.vector_load_idx %arg5[%add3A_137] : memref<12800xf32, #tpu.memory_space<vmem>>[vector<16xi32>], vector<16xf32>,
          %mul3A_139 = arith.constant 4.000000e+00 : f32
          %mul3A_140 = vector.broadcast %mul3A_139 : f32 to vector<16xf32>
          %mul3A_141 = arith.mulf %gather3A_126, %mul3A_140 : vector<16xf32>
          %sub3A_142 = arith.subf %mul3A_141, %mul3A_36 : vector<16xf32>
          %mul3A_143 = arith.mulf %sub3A_142, %div3A_33 : vector<16xf32>
          %convert_element_type3A_144 = arith.fptosi %mul3A_143 : vector<16xf32> to vector<16xi32>
          %convert_element_type3A_145 = arith.sitofp %convert_element_type3A_144 : vector<16xi32> to vector<16xf32>
          %lt3A_146 = arith.cmpf olt, %mul3A_143, %convert_element_type3A_145 : vector<16xf32>
          %sub3A_147 = arith.constant 1 : i32
          %sub3A_148 = vector.broadcast %sub3A_147 : i32 to vector<16xi32>
          %sub3A_149 = arith.subi %convert_element_type3A_144, %sub3A_148 : vector<16xi32>
          %select_n3A_150 = arith.select %lt3A_146, %sub3A_149, %convert_element_type3A_144 : vector<16xi1>, vector<16xi32>
          %convert_element_type3A_151 = arith.sitofp %select_n3A_150 : vector<16xi32> to vector<16xf32>
          %sub3A_152 = arith.subf %mul3A_143, %convert_element_type3A_151 : vector<16xf32>
          %eq3A_153 = arith.constant 0.000000e+00 : f32
          %eq3A_154 = vector.broadcast %eq3A_153 : f32 to vector<16xf32>
          %eq3A_155 = arith.cmpf oeq, %gather3A_138, %eq3A_154 : vector<16xf32>
          %jit3A_156 = arith.constant -1.000000e+00 : f32
          %broadcast_in_dim3A_157 = vector.broadcast %jit3A_156 : f32 to vector<16xf32>
          %select_n3A_158 = arith.select %eq3A_155, %broadcast_in_dim3A_157, %gather3A_138 : vector<16xi1>, vector<16xf32>
          %sub3A_159 = arith.constant 1.000000e+00 : f32
          %sub3A_160 = vector.broadcast %sub3A_159 : f32 to vector<16xf32>
          %sub3A_161 = arith.subf %sub3A_160, %sub3A_152 : vector<16xf32>
          %mul3A_162 = arith.mulf %select_n3A_158, %sub3A_161 : vector<16xf32>
          %mul3A_163 = arith.mulf %select_n3A_158, %sub3A_152 : vector<16xf32>
          %convert_element_type3A_164 = arith.fptosi %gather3A_130 : vector<16xf32> to vector<16xi32>
          %convert_element_type3A_165 = arith.fptosi %gather3A_134 : vector<16xf32> to vector<16xi32>
          %mul3A_166 = arith.constant 640 : i32
          %mul3A_167 = vector.broadcast %mul3A_166 : i32 to vector<16xi32>
          %mul3A_168 = arith.muli %convert_element_type3A_165, %mul3A_167 : vector<16xi32>
          %add3A_169 = arith.addi %convert_element_type3A_164, %mul3A_168 : vector<16xi32>
          %ge3A_170 = arith.constant 0 : i32
          %ge3A_171 = vector.broadcast %ge3A_170 : i32 to vector<16xi32>
          %ge3A_172 = arith.cmpi sge, %select_n3A_150, %ge3A_171 : vector<16xi32>
          %lt3A_173 = arith.constant 5 : i32
          %lt3A_174 = vector.broadcast %lt3A_173 : i32 to vector<16xi32>
          %lt3A_175 = arith.cmpi slt, %select_n3A_150, %lt3A_174 : vector<16xi32>
          %and3A_176 = arith.andi %ge3A_172, %lt3A_175 : vector<16xi1>
          %lt3A_177 = arith.constant 4 : i32
          %lt3A_178 = vector.broadcast %lt3A_177 : i32 to vector<16xi32>
          %lt3A_179 = arith.cmpi slt, %select_n3A_150, %lt3A_178 : vector<16xi32>
          %and3A_180 = arith.andi %ge3A_172, %lt3A_179 : vector<16xi1>
          %jit3A_181 = arith.constant 0 : i32
          %jit3A_182 = arith.constant 4 : i32
          %max3A = vector.broadcast %jit3A_181 : i32 to vector<16xi32>
          %max3A_183 = arith.maxsi %max3A, %select_n3A_150 : vector<16xi32>
          %min3A = vector.broadcast %jit3A_182 : i32 to vector<16xi32>
          %min3A_184 = arith.minsi %min3A, %max3A_183 : vector<16xi32>
          %add3A_185 = arith.constant 1 : i32
          %add3A_186 = vector.broadcast %add3A_185 : i32 to vector<16xi32>
          %add3A_187 = arith.addi %select_n3A_150, %add3A_186 : vector<16xi32>
          %jit3A_188 = arith.constant 0 : i32
          %jit3A_189 = arith.constant 4 : i32
          %max3A_190 = vector.broadcast %jit3A_188 : i32 to vector<16xi32>
          %max3A_191 = arith.maxsi %max3A_190, %add3A_187 : vector<16xi32>
          %min3A_192 = vector.broadcast %jit3A_189 : i32 to vector<16xi32>
          %min3A_193 = arith.minsi %min3A_192, %max3A_191 : vector<16xi32>
          %mul3A_194 = arith.constant 307200 : i32
          %mul3A_195 = vector.broadcast %mul3A_194 : i32 to vector<16xi32>
          %mul3A_196 = arith.muli %min3A_184, %mul3A_195 : vector<16xi32>
          %add3A_197 = arith.addi %add3A_169, %mul3A_196 : vector<16xi32>
          %mul3A_198 = arith.constant 307200 : i32
          %mul3A_199 = vector.broadcast %mul3A_198 : i32 to vector<16xi32>
          %mul3A_200 = arith.muli %min3A_193, %mul3A_199 : vector<16xi32>
          %add3A_201 = arith.addi %add3A_169, %mul3A_200 : vector<16xi32>
          %jit3A_202 = arith.constant 0.000000e+00 : f32
          %broadcast_in_dim3A_203 = vector.broadcast %jit3A_202 : f32 to vector<16xf32>
          %select_n3A_204 = arith.select %and3A_176, %mul3A_162, %broadcast_in_dim3A_203 : vector<16xi1>, vector<16xf32>
          %jit3A_205 = arith.constant 0.000000e+00 : f32
          %broadcast_in_dim3A_206 = vector.broadcast %jit3A_205 : f32 to vector<16xf32>
          %select_n3A_207 = arith.select %and3A_180, %mul3A_163, %broadcast_in_dim3A_206 : vector<16xi1>, vector<16xf32>
          %shift_right_arithmetic3A = arith.constant 2 : i32
          %shift_right_arithmetic3A_208 = arith.shrsi %scan3A_117, %shift_right_arithmetic3A : i32
          %add3A_209 = arith.addi %mul3A_85, %shift_right_arithmetic3A_208 : i32
          %and3A_210 = arith.constant 3 : i32
          %and3A_211 = arith.andi %scan3A_117, %and3A_210 : i32
          %mul3A_212 = arith.constant 32 : i32
          %mul3A_213 = arith.muli %and3A_211, %mul3A_212 : i32
          %swap3A = arith.index_cast %add3A_209 : i32 to index
          %swap3A_214 = arith.index_cast %mul3A_213 : i32 to index
          %swap3A_215 = tpu.vector_load %arg6[%swap3A, %swap3A_214] {strides = array<i32>} : memref<50x128xi32, #tpu.memory_space<vmem>>, vector<16xi32>,
          tpu.vector_store %arg6[%swap3A, %swap3A_214], %add3A_197 {strides = array<i32>} : memref<50x128xi32, #tpu.memory_space<vmem>>, vector<16xi32>,
          %add3A_216 = arith.constant 16 : i32
          %add3A_217 = arith.addi %mul3A_213, %add3A_216 : i32
          %swap3A_218 = arith.index_cast %add3A_209 : i32 to index
          %swap3A_219 = arith.index_cast %add3A_217 : i32 to index
          %swap3A_220 = tpu.vector_load %arg6[%swap3A_218, %swap3A_219] {strides = array<i32>} : memref<50x128xi32, #tpu.memory_space<vmem>>, vector<16xi32>,
          tpu.vector_store %arg6[%swap3A_218, %swap3A_219], %add3A_201 {strides = array<i32>} : memref<50x128xi32, #tpu.memory_space<vmem>>, vector<16xi32>,
          %swap3A_221 = arith.index_cast %add3A_209 : i32 to index
          %swap3A_222 = arith.index_cast %mul3A_213 : i32 to index
          %swap3A_223 = tpu.vector_load %arg7[%swap3A_221, %swap3A_222] {strides = array<i32>} : memref<50x128xf32, #tpu.memory_space<vmem>>, vector<16xf32>,
          tpu.vector_store %arg7[%swap3A_221, %swap3A_222], %select_n3A_204 {strides = array<i32>} : memref<50x128xf32, #tpu.memory_space<vmem>>, vector<16xf32>,
          %add3A_224 = arith.constant 16 : i32
          %add3A_225 = arith.addi %mul3A_213, %add3A_224 : i32
          %swap3A_226 = arith.index_cast %add3A_209 : i32 to index
          %swap3A_227 = arith.index_cast %add3A_225 : i32 to index
          %swap3A_228 = tpu.vector_load %arg7[%swap3A_226, %swap3A_227] {strides = array<i32>} : memref<50x128xf32, #tpu.memory_space<vmem>>, vector<16xf32>,
          tpu.vector_store %arg7[%swap3A_226, %swap3A_227], %select_n3A_207 {strides = array<i32>} : memref<50x128xf32, #tpu.memory_space<vmem>>, vector<16xf32>,
          %scan3A_229 = arith.constant 1 : i32
          %scan3A_230 = arith.addi %scan3A_117, %scan3A_229 : i32
          %mul3A_231 = arith.constant 64 : i32
          %mul3A_232 = arith.muli %scan3A_230, %mul3A_231 : i32
          %add3A_233 = arith.addi %mul3A_83, %mul3A_232 : i32
          %mul3A_234 = arith.constant 4 : i32
          %mul3A_235 = vector.broadcast %mul3A_234 : i32 to vector<16xi32>
          %mul3A_236 = arith.muli %iota3A, %mul3A_235 : vector<16xi32>
          %add3A_237 = vector.broadcast %add3A_233 : i32 to vector<16xi32>
          %add3A_238 = arith.addi %add3A_237, %mul3A_236 : vector<16xi32>
          %gather3A_239 = tpu.vector_load_idx %arg5[%add3A_238] : memref<12800xf32, #tpu.memory_space<vmem>>[vector<16xi32>], vector<16xf32>,
          %add3A_240 = arith.constant 1 : i32
          %add3A_241 = vector.broadcast %add3A_240 : i32 to vector<16xi32>
          %add3A_242 = arith.addi %add3A_238, %add3A_241 : vector<16xi32>
          %gather3A_243 = tpu.vector_load_idx %arg5[%add3A_242] : memref<12800xf32, #tpu.memory_space<vmem>>[vector<16xi32>], vector<16xf32>,
          %add3A_244 = arith.constant 2 : i32
          %add3A_245 = vector.broadcast %add3A_244 : i32 to vector<16xi32>
          %add3A_246 = arith.addi %add3A_238, %add3A_245 : vector<16xi32>
          %gather3A_247 = tpu.vector_load_idx %arg5[%add3A_246] : memref<12800xf32, #tpu.memory_space<vmem>>[vector<16xi32>], vector<16xf32>,
          %add3A_248 = arith.constant 3 : i32
          %add3A_249 = vector.broadcast %add3A_248 : i32 to vector<16xi32>
          %add3A_250 = arith.addi %add3A_238, %add3A_249 : vector<16xi32>
          %gather3A_251 = tpu.vector_load_idx %arg5[%add3A_250] : memref<12800xf32, #tpu.memory_space<vmem>>[vector<16xi32>], vector<16xf32>,
          %mul3A_252 = arith.constant 4.000000e+00 : f32
          %mul3A_253 = vector.broadcast %mul3A_252 : f32 to vector<16xf32>
          %mul3A_254 = arith.mulf %gather3A_239, %mul3A_253 : vector<16xf32>
          %sub3A_255 = arith.subf %mul3A_254, %mul3A_36 : vector<16xf32>
          %mul3A_256 = arith.mulf %sub3A_255, %div3A_33 : vector<16xf32>
          %convert_element_type3A_257 = arith.fptosi %mul3A_256 : vector<16xf32> to vector<16xi32>
          %convert_element_type3A_258 = arith.sitofp %convert_element_type3A_257 : vector<16xi32> to vector<16xf32>
          %lt3A_259 = arith.cmpf olt, %mul3A_256, %convert_element_type3A_258 : vector<16xf32>
          %sub3A_260 = arith.constant 1 : i32
          %sub3A_261 = vector.broadcast %sub3A_260 : i32 to vector<16xi32>
          %sub3A_262 = arith.subi %convert_element_type3A_257, %sub3A_261 : vector<16xi32>
          %select_n3A_263 = arith.select %lt3A_259, %sub3A_262, %convert_element_type3A_257 : vector<16xi1>, vector<16xi32>
          %convert_element_type3A_264 = arith.sitofp %select_n3A_263 : vector<16xi32> to vector<16xf32>
          %sub3A_265 = arith.subf %mul3A_256, %convert_element_type3A_264 : vector<16xf32>
          %eq3A_266 = arith.constant 0.000000e+00 : f32
          %eq3A_267 = vector.broadcast %eq3A_266 : f32 to vector<16xf32>
          %eq3A_268 = arith.cmpf oeq, %gather3A_251, %eq3A_267 : vector<16xf32>
          %jit3A_269 = arith.constant -1.000000e+00 : f32
          %broadcast_in_dim3A_270 = vector.broadcast %jit3A_269 : f32 to vector<16xf32>
          %select_n3A_271 = arith.select %eq3A_268, %broadcast_in_dim3A_270, %gather3A_251 : vector<16xi1>, vector<16xf32>
          %sub3A_272 = arith.constant 1.000000e+00 : f32
          %sub3A_273 = vector.broadcast %sub3A_272 : f32 to vector<16xf32>
          %sub3A_274 = arith.subf %sub3A_273, %sub3A_265 : vector<16xf32>
          %mul3A_275 = arith.mulf %select_n3A_271, %sub3A_274 : vector<16xf32>
          %mul3A_276 = arith.mulf %select_n3A_271, %sub3A_265 : vector<16xf32>
          %convert_element_type3A_277 = arith.fptosi %gather3A_243 : vector<16xf32> to vector<16xi32>
          %convert_element_type3A_278 = arith.fptosi %gather3A_247 : vector<16xf32> to vector<16xi32>
          %mul3A_279 = arith.constant 640 : i32
          %mul3A_280 = vector.broadcast %mul3A_279 : i32 to vector<16xi32>
          %mul3A_281 = arith.muli %convert_element_type3A_278, %mul3A_280 : vector<16xi32>
          %add3A_282 = arith.addi %convert_element_type3A_277, %mul3A_281 : vector<16xi32>
          %ge3A_283 = arith.constant 0 : i32
          %ge3A_284 = vector.broadcast %ge3A_283 : i32 to vector<16xi32>
          %ge3A_285 = arith.cmpi sge, %select_n3A_263, %ge3A_284 : vector<16xi32>
          %lt3A_286 = arith.constant 5 : i32
          %lt3A_287 = vector.broadcast %lt3A_286 : i32 to vector<16xi32>
          %lt3A_288 = arith.cmpi slt, %select_n3A_263, %lt3A_287 : vector<16xi32>
          %and3A_289 = arith.andi %ge3A_285, %lt3A_288 : vector<16xi1>
          %lt3A_290 = arith.constant 4 : i32
          %lt3A_291 = vector.broadcast %lt3A_290 : i32 to vector<16xi32>
          %lt3A_292 = arith.cmpi slt, %select_n3A_263, %lt3A_291 : vector<16xi32>
          %and3A_293 = arith.andi %ge3A_285, %lt3A_292 : vector<16xi1>
          %jit3A_294 = arith.constant 0 : i32
          %jit3A_295 = arith.constant 4 : i32
          %max3A_296 = vector.broadcast %jit3A_294 : i32 to vector<16xi32>
          %max3A_297 = arith.maxsi %max3A_296, %select_n3A_263 : vector<16xi32>
          %min3A_298 = vector.broadcast %jit3A_295 : i32 to vector<16xi32>
          %min3A_299 = arith.minsi %min3A_298, %max3A_297 : vector<16xi32>
          %add3A_300 = arith.constant 1 : i32
          %add3A_301 = vector.broadcast %add3A_300 : i32 to vector<16xi32>
          %add3A_302 = arith.addi %select_n3A_263, %add3A_301 : vector<16xi32>
          %jit3A_303 = arith.constant 0 : i32
          %jit3A_304 = arith.constant 4 : i32
          %max3A_305 = vector.broadcast %jit3A_303 : i32 to vector<16xi32>
          %max3A_306 = arith.maxsi %max3A_305, %add3A_302 : vector<16xi32>
          %min3A_307 = vector.broadcast %jit3A_304 : i32 to vector<16xi32>
          %min3A_308 = arith.minsi %min3A_307, %max3A_306 : vector<16xi32>
          %mul3A_309 = arith.constant 307200 : i32
          %mul3A_310 = vector.broadcast %mul3A_309 : i32 to vector<16xi32>
          %mul3A_311 = arith.muli %min3A_299, %mul3A_310 : vector<16xi32>
          %add3A_312 = arith.addi %add3A_282, %mul3A_311 : vector<16xi32>
          %mul3A_313 = arith.constant 307200 : i32
          %mul3A_314 = vector.broadcast %mul3A_313 : i32 to vector<16xi32>
          %mul3A_315 = arith.muli %min3A_308, %mul3A_314 : vector<16xi32>
          %add3A_316 = arith.addi %add3A_282, %mul3A_315 : vector<16xi32>
          %jit3A_317 = arith.constant 0.000000e+00 : f32
          %broadcast_in_dim3A_318 = vector.broadcast %jit3A_317 : f32 to vector<16xf32>
          %select_n3A_319 = arith.select %and3A_289, %mul3A_275, %broadcast_in_dim3A_318 : vector<16xi1>, vector<16xf32>
          %jit3A_320 = arith.constant 0.000000e+00 : f32
          %broadcast_in_dim3A_321 = vector.broadcast %jit3A_320 : f32 to vector<16xf32>
          %select_n3A_322 = arith.select %and3A_293, %mul3A_276, %broadcast_in_dim3A_321 : vector<16xi1>, vector<16xf32>
          %shift_right_arithmetic3A_323 = arith.constant 2 : i32
          %shift_right_arithmetic3A_324 = arith.shrsi %scan3A_230, %shift_right_arithmetic3A_323 : i32
          %add3A_325 = arith.addi %mul3A_85, %shift_right_arithmetic3A_324 : i32
          %and3A_326 = arith.constant 3 : i32
          %and3A_327 = arith.andi %scan3A_230, %and3A_326 : i32
          %mul3A_328 = arith.constant 32 : i32
          %mul3A_329 = arith.muli %and3A_327, %mul3A_328 : i32
          %swap3A_330 = arith.index_cast %add3A_325 : i32 to index
          %swap3A_331 = arith.index_cast %mul3A_329 : i32 to index
          %swap3A_332 = tpu.vector_load %arg6[%swap3A_330, %swap3A_331] {strides = array<i32>} : memref<50x128xi32, #tpu.memory_space<vmem>>, vector<16xi32>,
          tpu.vector_store %arg6[%swap3A_330, %swap3A_331], %add3A_312 {strides = array<i32>} : memref<50x128xi32, #tpu.memory_space<vmem>>, vector<16xi32>,
          %add3A_333 = arith.constant 16 : i32
          %add3A_334 = arith.addi %mul3A_329, %add3A_333 : i32
          %swap3A_335 = arith.index_cast %add3A_325 : i32 to index
          %swap3A_336 = arith.index_cast %add3A_334 : i32 to index
          %swap3A_337 = tpu.vector_load %arg6[%swap3A_335, %swap3A_336] {strides = array<i32>} : memref<50x128xi32, #tpu.memory_space<vmem>>, vector<16xi32>,
          tpu.vector_store %arg6[%swap3A_335, %swap3A_336], %add3A_316 {strides = array<i32>} : memref<50x128xi32, #tpu.memory_space<vmem>>, vector<16xi32>,
          %swap3A_338 = arith.index_cast %add3A_325 : i32 to index
          %swap3A_339 = arith.index_cast %mul3A_329 : i32 to index
          %swap3A_340 = tpu.vector_load %arg7[%swap3A_338, %swap3A_339] {strides = array<i32>} : memref<50x128xf32, #tpu.memory_space<vmem>>, vector<16xf32>,
          tpu.vector_store %arg7[%swap3A_338, %swap3A_339], %select_n3A_319 {strides = array<i32>} : memref<50x128xf32, #tpu.memory_space<vmem>>, vector<16xf32>,
          %add3A_341 = arith.constant 16 : i32
          %add3A_342 = arith.addi %mul3A_329, %add3A_341 : i32
          %swap3A_343 = arith.index_cast %add3A_325 : i32 to index
          %swap3A_344 = arith.index_cast %add3A_342 : i32 to index
          %swap3A_345 = tpu.vector_load %arg7[%swap3A_343, %swap3A_344] {strides = array<i32>} : memref<50x128xf32, #tpu.memory_space<vmem>>, vector<16xf32>,
          tpu.vector_store %arg7[%swap3A_343, %swap3A_344], %select_n3A_322 {strides = array<i32>} : memref<50x128xf32, #tpu.memory_space<vmem>>, vector<16xf32>,
          %scan3A_346 = arith.constant 2 : i32
          %scan3A_347 = arith.addi %scan3A_117, %scan3A_346 : i32
          %mul3A_348 = arith.constant 64 : i32
          %mul3A_349 = arith.muli %scan3A_347, %mul3A_348 : i32
          %add3A_350 = arith.addi %mul3A_83, %mul3A_349 : i32
          %mul3A_351 = arith.constant 4 : i32
          %mul3A_352 = vector.broadcast %mul3A_351 : i32 to vector<16xi32>
          %mul3A_353 = arith.muli %iota3A, %mul3A_352 : vector<16xi32>
          %add3A_354 = vector.broadcast %add3A_350 : i32 to vector<16xi32>
          %add3A_355 = arith.addi %add3A_354, %mul3A_353 : vector<16xi32>
          %gather3A_356 = tpu.vector_load_idx %arg5[%add3A_355] : memref<12800xf32, #tpu.memory_space<vmem>>[vector<16xi32>], vector<16xf32>,
          %add3A_357 = arith.constant 1 : i32
          %add3A_358 = vector.broadcast %add3A_357 : i32 to vector<16xi32>
          %add3A_359 = arith.addi %add3A_355, %add3A_358 : vector<16xi32>
          %gather3A_360 = tpu.vector_load_idx %arg5[%add3A_359] : memref<12800xf32, #tpu.memory_space<vmem>>[vector<16xi32>], vector<16xf32>,
          %add3A_361 = arith.constant 2 : i32
          %add3A_362 = vector.broadcast %add3A_361 : i32 to vector<16xi32>
          %add3A_363 = arith.addi %add3A_355, %add3A_362 : vector<16xi32>
          %gather3A_364 = tpu.vector_load_idx %arg5[%add3A_363] : memref<12800xf32, #tpu.memory_space<vmem>>[vector<16xi32>], vector<16xf32>,
          %add3A_365 = arith.constant 3 : i32
          %add3A_366 = vector.broadcast %add3A_365 : i32 to vector<16xi32>
          %add3A_367 = arith.addi %add3A_355, %add3A_366 : vector<16xi32>
          %gather3A_368 = tpu.vector_load_idx %arg5[%add3A_367] : memref<12800xf32, #tpu.memory_space<vmem>>[vector<16xi32>], vector<16xf32>,
          %mul3A_369 = arith.constant 4.000000e+00 : f32
          %mul3A_370 = vector.broadcast %mul3A_369 : f32 to vector<16xf32>
          %mul3A_371 = arith.mulf %gather3A_356, %mul3A_370 : vector<16xf32>
          %sub3A_372 = arith.subf %mul3A_371, %mul3A_36 : vector<16xf32>
          %mul3A_373 = arith.mulf %sub3A_372, %div3A_33 : vector<16xf32>
          %convert_element_type3A_374 = arith.fptosi %mul3A_373 : vector<16xf32> to vector<16xi32>
          %convert_element_type3A_375 = arith.sitofp %convert_element_type3A_374 : vector<16xi32> to vector<16xf32>
          %lt3A_376 = arith.cmpf olt, %mul3A_373, %convert_element_type3A_375 : vector<16xf32>
          %sub3A_377 = arith.constant 1 : i32
          %sub3A_378 = vector.broadcast %sub3A_377 : i32 to vector<16xi32>
          %sub3A_379 = arith.subi %convert_element_type3A_374, %sub3A_378 : vector<16xi32>
          %select_n3A_380 = arith.select %lt3A_376, %sub3A_379, %convert_element_type3A_374 : vector<16xi1>, vector<16xi32>
          %convert_element_type3A_381 = arith.sitofp %select_n3A_380 : vector<16xi32> to vector<16xf32>
          %sub3A_382 = arith.subf %mul3A_373, %convert_element_type3A_381 : vector<16xf32>
          %eq3A_383 = arith.constant 0.000000e+00 : f32
          %eq3A_384 = vector.broadcast %eq3A_383 : f32 to vector<16xf32>
          %eq3A_385 = arith.cmpf oeq, %gather3A_368, %eq3A_384 : vector<16xf32>
          %jit3A_386 = arith.constant -1.000000e+00 : f32
          %broadcast_in_dim3A_387 = vector.broadcast %jit3A_386 : f32 to vector<16xf32>
          %select_n3A_388 = arith.select %eq3A_385, %broadcast_in_dim3A_387, %gather3A_368 : vector<16xi1>, vector<16xf32>
          %sub3A_389 = arith.constant 1.000000e+00 : f32
          %sub3A_390 = vector.broadcast %sub3A_389 : f32 to vector<16xf32>
          %sub3A_391 = arith.subf %sub3A_390, %sub3A_382 : vector<16xf32>
          %mul3A_392 = arith.mulf %select_n3A_388, %sub3A_391 : vector<16xf32>
          %mul3A_393 = arith.mulf %select_n3A_388, %sub3A_382 : vector<16xf32>
          %convert_element_type3A_394 = arith.fptosi %gather3A_360 : vector<16xf32> to vector<16xi32>
          %convert_element_type3A_395 = arith.fptosi %gather3A_364 : vector<16xf32> to vector<16xi32>
          %mul3A_396 = arith.constant 640 : i32
          %mul3A_397 = vector.broadcast %mul3A_396 : i32 to vector<16xi32>
          %mul3A_398 = arith.muli %convert_element_type3A_395, %mul3A_397 : vector<16xi32>
          %add3A_399 = arith.addi %convert_element_type3A_394, %mul3A_398 : vector<16xi32>
          %ge3A_400 = arith.constant 0 : i32
          %ge3A_401 = vector.broadcast %ge3A_400 : i32 to vector<16xi32>
          %ge3A_402 = arith.cmpi sge, %select_n3A_380, %ge3A_401 : vector<16xi32>
          %lt3A_403 = arith.constant 5 : i32
          %lt3A_404 = vector.broadcast %lt3A_403 : i32 to vector<16xi32>
          %lt3A_405 = arith.cmpi slt, %select_n3A_380, %lt3A_404 : vector<16xi32>
          %and3A_406 = arith.andi %ge3A_402, %lt3A_405 : vector<16xi1>
          %lt3A_407 = arith.constant 4 : i32
          %lt3A_408 = vector.broadcast %lt3A_407 : i32 to vector<16xi32>
          %lt3A_409 = arith.cmpi slt, %select_n3A_380, %lt3A_408 : vector<16xi32>
          %and3A_410 = arith.andi %ge3A_402, %lt3A_409 : vector<16xi1>
          %jit3A_411 = arith.constant 0 : i32
          %jit3A_412 = arith.constant 4 : i32
          %max3A_413 = vector.broadcast %jit3A_411 : i32 to vector<16xi32>
          %max3A_414 = arith.maxsi %max3A_413, %select_n3A_380 : vector<16xi32>
          %min3A_415 = vector.broadcast %jit3A_412 : i32 to vector<16xi32>
          %min3A_416 = arith.minsi %min3A_415, %max3A_414 : vector<16xi32>
          %add3A_417 = arith.constant 1 : i32
          %add3A_418 = vector.broadcast %add3A_417 : i32 to vector<16xi32>
          %add3A_419 = arith.addi %select_n3A_380, %add3A_418 : vector<16xi32>
          %jit3A_420 = arith.constant 0 : i32
          %jit3A_421 = arith.constant 4 : i32
          %max3A_422 = vector.broadcast %jit3A_420 : i32 to vector<16xi32>
          %max3A_423 = arith.maxsi %max3A_422, %add3A_419 : vector<16xi32>
          %min3A_424 = vector.broadcast %jit3A_421 : i32 to vector<16xi32>
          %min3A_425 = arith.minsi %min3A_424, %max3A_423 : vector<16xi32>
          %mul3A_426 = arith.constant 307200 : i32
          %mul3A_427 = vector.broadcast %mul3A_426 : i32 to vector<16xi32>
          %mul3A_428 = arith.muli %min3A_416, %mul3A_427 : vector<16xi32>
          %add3A_429 = arith.addi %add3A_399, %mul3A_428 : vector<16xi32>
          %mul3A_430 = arith.constant 307200 : i32
          %mul3A_431 = vector.broadcast %mul3A_430 : i32 to vector<16xi32>
          %mul3A_432 = arith.muli %min3A_425, %mul3A_431 : vector<16xi32>
          %add3A_433 = arith.addi %add3A_399, %mul3A_432 : vector<16xi32>
          %jit3A_434 = arith.constant 0.000000e+00 : f32
          %broadcast_in_dim3A_435 = vector.broadcast %jit3A_434 : f32 to vector<16xf32>
          %select_n3A_436 = arith.select %and3A_406, %mul3A_392, %broadcast_in_dim3A_435 : vector<16xi1>, vector<16xf32>
          %jit3A_437 = arith.constant 0.000000e+00 : f32
          %broadcast_in_dim3A_438 = vector.broadcast %jit3A_437 : f32 to vector<16xf32>
          %select_n3A_439 = arith.select %and3A_410, %mul3A_393, %broadcast_in_dim3A_438 : vector<16xi1>, vector<16xf32>
          %shift_right_arithmetic3A_440 = arith.constant 2 : i32
          %shift_right_arithmetic3A_441 = arith.shrsi %scan3A_347, %shift_right_arithmetic3A_440 : i32
          %add3A_442 = arith.addi %mul3A_85, %shift_right_arithmetic3A_441 : i32
          %and3A_443 = arith.constant 3 : i32
          %and3A_444 = arith.andi %scan3A_347, %and3A_443 : i32
          %mul3A_445 = arith.constant 32 : i32
          %mul3A_446 = arith.muli %and3A_444, %mul3A_445 : i32
          %swap3A_447 = arith.index_cast %add3A_442 : i32 to index
          %swap3A_448 = arith.index_cast %mul3A_446 : i32 to index
          %swap3A_449 = tpu.vector_load %arg6[%swap3A_447, %swap3A_448] {strides = array<i32>} : memref<50x128xi32, #tpu.memory_space<vmem>>, vector<16xi32>,
          tpu.vector_store %arg6[%swap3A_447, %swap3A_448], %add3A_429 {strides = array<i32>} : memref<50x128xi32, #tpu.memory_space<vmem>>, vector<16xi32>,
          %add3A_450 = arith.constant 16 : i32
          %add3A_451 = arith.addi %mul3A_446, %add3A_450 : i32
          %swap3A_452 = arith.index_cast %add3A_442 : i32 to index
          %swap3A_453 = arith.index_cast %add3A_451 : i32 to index
          %swap3A_454 = tpu.vector_load %arg6[%swap3A_452, %swap3A_453] {strides = array<i32>} : memref<50x128xi32, #tpu.memory_space<vmem>>, vector<16xi32>,
          tpu.vector_store %arg6[%swap3A_452, %swap3A_453], %add3A_433 {strides = array<i32>} : memref<50x128xi32, #tpu.memory_space<vmem>>, vector<16xi32>,
          %swap3A_455 = arith.index_cast %add3A_442 : i32 to index
          %swap3A_456 = arith.index_cast %mul3A_446 : i32 to index
          %swap3A_457 = tpu.vector_load %arg7[%swap3A_455, %swap3A_456] {strides = array<i32>} : memref<50x128xf32, #tpu.memory_space<vmem>>, vector<16xf32>,
          tpu.vector_store %arg7[%swap3A_455, %swap3A_456], %select_n3A_436 {strides = array<i32>} : memref<50x128xf32, #tpu.memory_space<vmem>>, vector<16xf32>,
          %add3A_458 = arith.constant 16 : i32
          %add3A_459 = arith.addi %mul3A_446, %add3A_458 : i32
          %swap3A_460 = arith.index_cast %add3A_442 : i32 to index
          %swap3A_461 = arith.index_cast %add3A_459 : i32 to index
          %swap3A_462 = tpu.vector_load %arg7[%swap3A_460, %swap3A_461] {strides = array<i32>} : memref<50x128xf32, #tpu.memory_space<vmem>>, vector<16xf32>,
          tpu.vector_store %arg7[%swap3A_460, %swap3A_461], %select_n3A_439 {strides = array<i32>} : memref<50x128xf32, #tpu.memory_space<vmem>>, vector<16xf32>,
          %scan3A_463 = arith.constant 3 : i32
          %scan3A_464 = arith.addi %scan3A_117, %scan3A_463 : i32
          %mul3A_465 = arith.constant 64 : i32
          %mul3A_466 = arith.muli %scan3A_464, %mul3A_465 : i32
          %add3A_467 = arith.addi %mul3A_83, %mul3A_466 : i32
          %mul3A_468 = arith.constant 4 : i32
          %mul3A_469 = vector.broadcast %mul3A_468 : i32 to vector<16xi32>
          %mul3A_470 = arith.muli %iota3A, %mul3A_469 : vector<16xi32>
          %add3A_471 = vector.broadcast %add3A_467 : i32 to vector<16xi32>
          %add3A_472 = arith.addi %add3A_471, %mul3A_470 : vector<16xi32>
          %gather3A_473 = tpu.vector_load_idx %arg5[%add3A_472] : memref<12800xf32, #tpu.memory_space<vmem>>[vector<16xi32>], vector<16xf32>,
          %add3A_474 = arith.constant 1 : i32
          %add3A_475 = vector.broadcast %add3A_474 : i32 to vector<16xi32>
          %add3A_476 = arith.addi %add3A_472, %add3A_475 : vector<16xi32>
          %gather3A_477 = tpu.vector_load_idx %arg5[%add3A_476] : memref<12800xf32, #tpu.memory_space<vmem>>[vector<16xi32>], vector<16xf32>,
          %add3A_478 = arith.constant 2 : i32
          %add3A_479 = vector.broadcast %add3A_478 : i32 to vector<16xi32>
          %add3A_480 = arith.addi %add3A_472, %add3A_479 : vector<16xi32>
          %gather3A_481 = tpu.vector_load_idx %arg5[%add3A_480] : memref<12800xf32, #tpu.memory_space<vmem>>[vector<16xi32>], vector<16xf32>,
          %add3A_482 = arith.constant 3 : i32
          %add3A_483 = vector.broadcast %add3A_482 : i32 to vector<16xi32>
          %add3A_484 = arith.addi %add3A_472, %add3A_483 : vector<16xi32>
          %gather3A_485 = tpu.vector_load_idx %arg5[%add3A_484] : memref<12800xf32, #tpu.memory_space<vmem>>[vector<16xi32>], vector<16xf32>,
          %mul3A_486 = arith.constant 4.000000e+00 : f32
          %mul3A_487 = vector.broadcast %mul3A_486 : f32 to vector<16xf32>
          %mul3A_488 = arith.mulf %gather3A_473, %mul3A_487 : vector<16xf32>
          %sub3A_489 = arith.subf %mul3A_488, %mul3A_36 : vector<16xf32>
          %mul3A_490 = arith.mulf %sub3A_489, %div3A_33 : vector<16xf32>
          %convert_element_type3A_491 = arith.fptosi %mul3A_490 : vector<16xf32> to vector<16xi32>
          %convert_element_type3A_492 = arith.sitofp %convert_element_type3A_491 : vector<16xi32> to vector<16xf32>
          %lt3A_493 = arith.cmpf olt, %mul3A_490, %convert_element_type3A_492 : vector<16xf32>
          %sub3A_494 = arith.constant 1 : i32
          %sub3A_495 = vector.broadcast %sub3A_494 : i32 to vector<16xi32>
          %sub3A_496 = arith.subi %convert_element_type3A_491, %sub3A_495 : vector<16xi32>
          %select_n3A_497 = arith.select %lt3A_493, %sub3A_496, %convert_element_type3A_491 : vector<16xi1>, vector<16xi32>
          %convert_element_type3A_498 = arith.sitofp %select_n3A_497 : vector<16xi32> to vector<16xf32>
          %sub3A_499 = arith.subf %mul3A_490, %convert_element_type3A_498 : vector<16xf32>
          %eq3A_500 = arith.constant 0.000000e+00 : f32
          %eq3A_501 = vector.broadcast %eq3A_500 : f32 to vector<16xf32>
          %eq3A_502 = arith.cmpf oeq, %gather3A_485, %eq3A_501 : vector<16xf32>
          %jit3A_503 = arith.constant -1.000000e+00 : f32
          %broadcast_in_dim3A_504 = vector.broadcast %jit3A_503 : f32 to vector<16xf32>
          %select_n3A_505 = arith.select %eq3A_502, %broadcast_in_dim3A_504, %gather3A_485 : vector<16xi1>, vector<16xf32>
          %sub3A_506 = arith.constant 1.000000e+00 : f32
          %sub3A_507 = vector.broadcast %sub3A_506 : f32 to vector<16xf32>
          %sub3A_508 = arith.subf %sub3A_507, %sub3A_499 : vector<16xf32>
          %mul3A_509 = arith.mulf %select_n3A_505, %sub3A_508 : vector<16xf32>
          %mul3A_510 = arith.mulf %select_n3A_505, %sub3A_499 : vector<16xf32>
          %convert_element_type3A_511 = arith.fptosi %gather3A_477 : vector<16xf32> to vector<16xi32>
          %convert_element_type3A_512 = arith.fptosi %gather3A_481 : vector<16xf32> to vector<16xi32>
          %mul3A_513 = arith.constant 640 : i32
          %mul3A_514 = vector.broadcast %mul3A_513 : i32 to vector<16xi32>
          %mul3A_515 = arith.muli %convert_element_type3A_512, %mul3A_514 : vector<16xi32>
          %add3A_516 = arith.addi %convert_element_type3A_511, %mul3A_515 : vector<16xi32>
          %ge3A_517 = arith.constant 0 : i32
          %ge3A_518 = vector.broadcast %ge3A_517 : i32 to vector<16xi32>
          %ge3A_519 = arith.cmpi sge, %select_n3A_497, %ge3A_518 : vector<16xi32>
          %lt3A_520 = arith.constant 5 : i32
          %lt3A_521 = vector.broadcast %lt3A_520 : i32 to vector<16xi32>
          %lt3A_522 = arith.cmpi slt, %select_n3A_497, %lt3A_521 : vector<16xi32>
          %and3A_523 = arith.andi %ge3A_519, %lt3A_522 : vector<16xi1>
          %lt3A_524 = arith.constant 4 : i32
          %lt3A_525 = vector.broadcast %lt3A_524 : i32 to vector<16xi32>
          %lt3A_526 = arith.cmpi slt, %select_n3A_497, %lt3A_525 : vector<16xi32>
          %and3A_527 = arith.andi %ge3A_519, %lt3A_526 : vector<16xi1>
          %jit3A_528 = arith.constant 0 : i32
          %jit3A_529 = arith.constant 4 : i32
          %max3A_530 = vector.broadcast %jit3A_528 : i32 to vector<16xi32>
          %max3A_531 = arith.maxsi %max3A_530, %select_n3A_497 : vector<16xi32>
          %min3A_532 = vector.broadcast %jit3A_529 : i32 to vector<16xi32>
          %min3A_533 = arith.minsi %min3A_532, %max3A_531 : vector<16xi32>
          %add3A_534 = arith.constant 1 : i32
          %add3A_535 = vector.broadcast %add3A_534 : i32 to vector<16xi32>
          %add3A_536 = arith.addi %select_n3A_497, %add3A_535 : vector<16xi32>
          %jit3A_537 = arith.constant 0 : i32
          %jit3A_538 = arith.constant 4 : i32
          %max3A_539 = vector.broadcast %jit3A_537 : i32 to vector<16xi32>
          %max3A_540 = arith.maxsi %max3A_539, %add3A_536 : vector<16xi32>
          %min3A_541 = vector.broadcast %jit3A_538 : i32 to vector<16xi32>
          %min3A_542 = arith.minsi %min3A_541, %max3A_540 : vector<16xi32>
          %mul3A_543 = arith.constant 307200 : i32
          %mul3A_544 = vector.broadcast %mul3A_543 : i32 to vector<16xi32>
          %mul3A_545 = arith.muli %min3A_533, %mul3A_544 : vector<16xi32>
          %add3A_546 = arith.addi %add3A_516, %mul3A_545 : vector<16xi32>
          %mul3A_547 = arith.constant 307200 : i32
          %mul3A_548 = vector.broadcast %mul3A_547 : i32 to vector<16xi32>
          %mul3A_549 = arith.muli %min3A_542, %mul3A_548 : vector<16xi32>
          %add3A_550 = arith.addi %add3A_516, %mul3A_549 : vector<16xi32>
          %jit3A_551 = arith.constant 0.000000e+00 : f32
          %broadcast_in_dim3A_552 = vector.broadcast %jit3A_551 : f32 to vector<16xf32>
          %select_n3A_553 = arith.select %and3A_523, %mul3A_509, %broadcast_in_dim3A_552 : vector<16xi1>, vector<16xf32>
          %jit3A_554 = arith.constant 0.000000e+00 : f32
          %broadcast_in_dim3A_555 = vector.broadcast %jit3A_554 : f32 to vector<16xf32>
          %select_n3A_556 = arith.select %and3A_527, %mul3A_510, %broadcast_in_dim3A_555 : vector<16xi1>, vector<16xf32>
          %shift_right_arithmetic3A_557 = arith.constant 2 : i32
          %shift_right_arithmetic3A_558 = arith.shrsi %scan3A_464, %shift_right_arithmetic3A_557 : i32
          %add3A_559 = arith.addi %mul3A_85, %shift_right_arithmetic3A_558 : i32
          %and3A_560 = arith.constant 3 : i32
          %and3A_561 = arith.andi %scan3A_464, %and3A_560 : i32
          %mul3A_562 = arith.constant 32 : i32
          %mul3A_563 = arith.muli %and3A_561, %mul3A_562 : i32
          %swap3A_564 = arith.index_cast %add3A_559 : i32 to index
          %swap3A_565 = arith.index_cast %mul3A_563 : i32 to index
          %swap3A_566 = tpu.vector_load %arg6[%swap3A_564, %swap3A_565] {strides = array<i32>} : memref<50x128xi32, #tpu.memory_space<vmem>>, vector<16xi32>,
          tpu.vector_store %arg6[%swap3A_564, %swap3A_565], %add3A_546 {strides = array<i32>} : memref<50x128xi32, #tpu.memory_space<vmem>>, vector<16xi32>,
          %add3A_567 = arith.constant 16 : i32
          %add3A_568 = arith.addi %mul3A_563, %add3A_567 : i32
          %swap3A_569 = arith.index_cast %add3A_559 : i32 to index
          %swap3A_570 = arith.index_cast %add3A_568 : i32 to index
          %swap3A_571 = tpu.vector_load %arg6[%swap3A_569, %swap3A_570] {strides = array<i32>} : memref<50x128xi32, #tpu.memory_space<vmem>>, vector<16xi32>,
          tpu.vector_store %arg6[%swap3A_569, %swap3A_570], %add3A_550 {strides = array<i32>} : memref<50x128xi32, #tpu.memory_space<vmem>>, vector<16xi32>,
          %swap3A_572 = arith.index_cast %add3A_559 : i32 to index
          %swap3A_573 = arith.index_cast %mul3A_563 : i32 to index
          %swap3A_574 = tpu.vector_load %arg7[%swap3A_572, %swap3A_573] {strides = array<i32>} : memref<50x128xf32, #tpu.memory_space<vmem>>, vector<16xf32>,
          tpu.vector_store %arg7[%swap3A_572, %swap3A_573], %select_n3A_553 {strides = array<i32>} : memref<50x128xf32, #tpu.memory_space<vmem>>, vector<16xf32>,
          %add3A_575 = arith.constant 16 : i32
          %add3A_576 = arith.addi %mul3A_563, %add3A_575 : i32
          %swap3A_577 = arith.index_cast %add3A_559 : i32 to index
          %swap3A_578 = arith.index_cast %add3A_576 : i32 to index
          %swap3A_579 = tpu.vector_load %arg7[%swap3A_577, %swap3A_578] {strides = array<i32>} : memref<50x128xf32, #tpu.memory_space<vmem>>, vector<16xf32>,
          tpu.vector_store %arg7[%swap3A_577, %swap3A_578], %select_n3A_556 {strides = array<i32>} : memref<50x128xf32, #tpu.memory_space<vmem>>, vector<16xf32>,
        }
        %scan3A_106 = arith.constant 100 : i32
        %ge3A = arith.constant 1 : i32
        %ge3A_107 = arith.cmpi sge, %while3A_79, %ge3A : i32
        %convert_element_type3A_108 = arith.extui %ge3A_107 : i1 to i32
        %cond3A_109 = arith.constant 0 : i32
        %cond3A_110 = arith.cmpi ne, %convert_element_type3A_108, %cond3A_109 : i32
        scf.if %cond3A_110 {
          %scan3A_117 = arith.constant 0 : i32
          %scan3A_118 = arith.constant 0 : i32
          %scan3A_119 = arith.constant 25 : i32
          %scan3A_120 = arith.addi %scan3A_118, %scan3A_119 : i32
          %scan3A_121 = arith.constant 1 : i32
          scf.for %scan3A_123 = %scan3A_118 to %scan3A_120 step %scan3A_121  : i32 {
            %sub3A_124 = arith.constant 1 : i32
            %sub3A_125 = arith.subi %sub3A_124, %and3A_81 : i32
            %mul3A_126 = arith.constant 25 : i32
            %mul3A_127 = arith.muli %sub3A_125, %mul3A_126 : i32
            %add3A_128 = arith.addi %mul3A_127, %scan3A_123 : i32
            %add3A_129 = arith.addi %mul3A_127, %scan3A_123 : i32
            %dma_wait3A_130 = arith.constant 0 : i32
            %dma_wait3A_131 = tpu.memref_slice %arg7[%add3A_128, %dma_wait3A_130] : memref<50x128xf32, #tpu.memory_space<vmem>> -> memref<1x128xf32, #tpu.memory_space<vmem>>
            %dma_wait3A_132 = tpu.memref_squeeze %dma_wait3A_131 : memref<1x128xf32, #tpu.memory_space<vmem>> -> memref<128xf32, #tpu.memory_space<vmem>>
            %dma_wait3A_133 = arith.constant 0 : i32
            %dma_wait3A_134 = tpu.memref_slice %arg6[%add3A_129, %dma_wait3A_133] : memref<50x128xi32, #tpu.memory_space<vmem>> -> memref<1x128xi32, #tpu.memory_space<vmem>>
            %dma_wait3A_135 = tpu.memref_squeeze %dma_wait3A_134 : memref<1x128xi32, #tpu.memory_space<vmem>> -> memref<128xi32, #tpu.memory_space<vmem>>
            %dma_wait3A_136 = arith.constant 0 : i32
            %dma_wait3A_137 = tpu.memref_slice %arg10[%dma_wait3A_136] : memref<1536000xf32, #tpu.memory_space<vmem_shared>> -> memref<1536000xf32, #tpu.memory_space<vmem_shared>>
            tpu.wait_indirect_dma semaphore(%arg12 : memref<!tpu.dma_semaphore, #tpu.memory_space<semaphore_mem>>) src(%dma_wait3A_132 : memref<128xf32, #tpu.memory_space<vmem>>) dst(%dma_wait3A_137 : memref<1536000xf32, #tpu.memory_space<vmem_shared>>)
          }
          %scan3A_122 = arith.constant 25 : i32
        } else {
        }
        %scan3A_111 = arith.constant 0 : i32
        %scan3A_112 = arith.constant 0 : i32
        %scan3A_113 = arith.constant 25 : i32
        %scan3A_114 = arith.addi %scan3A_112, %scan3A_113 : i32
        %scan3A_115 = arith.constant 1 : i32
        scf.for %scan3A_117 = %scan3A_112 to %scan3A_114 step %scan3A_115  : i32 {
          %add3A_118 = arith.addi %mul3A_85, %scan3A_117 : i32
          %add3A_119 = arith.addi %mul3A_85, %scan3A_117 : i32
          %dma_start3A_120 = arith.constant 0 : i32
          %dma_start3A_121 = tpu.memref_slice %arg7[%add3A_118, %dma_start3A_120] : memref<50x128xf32, #tpu.memory_space<vmem>> -> memref<1x128xf32, #tpu.memory_space<vmem>>
          %dma_start3A_122 = tpu.memref_squeeze %dma_start3A_121 : memref<1x128xf32, #tpu.memory_space<vmem>> -> memref<128xf32, #tpu.memory_space<vmem>>
          %dma_start3A_123 = arith.constant 0 : i32
          %dma_start3A_124 = tpu.memref_slice %arg6[%add3A_119, %dma_start3A_123] : memref<50x128xi32, #tpu.memory_space<vmem>> -> memref<1x128xi32, #tpu.memory_space<vmem>>
          %dma_start3A_125 = tpu.memref_squeeze %dma_start3A_124 : memref<1x128xi32, #tpu.memory_space<vmem>> -> memref<128xi32, #tpu.memory_space<vmem>>
          %dma_start3A_126 = arith.constant 0 : i32
          %dma_start3A_127 = tpu.memref_slice %arg10[%dma_start3A_126] : memref<1536000xf32, #tpu.memory_space<vmem_shared>> -> memref<1536000xf32, #tpu.memory_space<vmem_shared>>
          tpu.enqueue_indirect_dma source(%dma_start3A_122 : memref<128xf32, #tpu.memory_space<vmem>>) target(%dma_start3A_127 : memref<1536000xf32, #tpu.memory_space<vmem_shared>>) offsets(%dma_start3A_125 : memref<128xi32, #tpu.memory_space<vmem>>) semaphore(%arg12 : memref<!tpu.dma_semaphore, #tpu.memory_space<semaphore_mem>>) {add = true}
        }
        %scan3A_116 = arith.constant 25 : i32
      }
      %while3A_61 = arith.constant 1 : i32
      scf.for %while3A_79 = %while3A_59 to %while3A_55 step %while3A_61  : i32 {
        %and3A_80 = arith.constant 1 : i32
        %and3A_81 = arith.andi %while3A_79, %and3A_80 : i32
        %mul3A_82 = arith.constant 6400 : i32
        %mul3A_83 = arith.muli %and3A_81, %mul3A_82 : i32
        %mul3A_84 = arith.constant 25 : i32
        %mul3A_85 = arith.muli %and3A_81, %mul3A_84 : i32
        %mul3A_86 = arith.constant 16 : i32
        %mul3A_87 = arith.muli %while3A_79, %mul3A_86 : i32
        %add3A_88 = arith.addi %mul3A_87, %arg1 : i32
        %mul3A_89 = arith.constant 6400 : i32
        %mul3A_90 = arith.muli %add3A_88, %mul3A_89 : i32
        %mul3A_91 = arith.constant 6400 : i32
        %mul3A_92 = arith.muli %and3A_81, %mul3A_91 : i32
        %dma_wait3A = tpu.memref_slice %arg5[%mul3A_92] : memref<12800xf32, #tpu.memory_space<vmem>> -> memref<6400xf32, #tpu.memory_space<vmem>>
        %dma_wait3A_93 = tpu.memref_slice %arg2[%add3A, %mul3A_90] : memref<8x4000000xf32, #tpu.memory_space<hbm>> -> memref<1x6400xf32, #tpu.memory_space<hbm>>
        %dma_wait3A_94 = tpu.memref_squeeze %dma_wait3A_93 : memref<1x6400xf32, #tpu.memory_space<hbm>> -> memref<6400xf32, #tpu.memory_space<hbm>>
        %dma_wait3A_95 = tpu.memref_slice %arg5[%mul3A_92] : memref<12800xf32, #tpu.memory_space<vmem>> -> memref<6400xf32, #tpu.memory_space<vmem>>
        %dma_wait3A_96 = tpu.memref_slice %arg2[%add3A, %mul3A_90] : memref<8x4000000xf32, #tpu.memory_space<hbm>> -> memref<1x6400xf32, #tpu.memory_space<hbm>>
        %dma_wait3A_97 = tpu.memref_squeeze %dma_wait3A_96 : memref<1x6400xf32, #tpu.memory_space<hbm>> -> memref<6400xf32, #tpu.memory_space<hbm>>
        tpu.wait_dma2 semaphore(%arg11 : memref<!tpu.dma_semaphore, #tpu.memory_space<semaphore_mem>>) src(%dma_wait3A_97 : memref<6400xf32, #tpu.memory_space<hbm>>) dst(%dma_wait3A_95 : memref<6400xf32, #tpu.memory_space<vmem>>)
        %add3A_98 = arith.constant 1 : i32
        %add3A_99 = arith.addi %while3A_79, %add3A_98 : i32
        %lt3A = arith.cmpi slt, %add3A_99, %select_n3A_41 : i32
        %convert_element_type3A = arith.extui %lt3A : i1 to i32
        %cond3A = arith.constant 0 : i32
        %cond3A_100 = arith.cmpi ne, %convert_element_type3A, %cond3A : i32
        scf.if %cond3A_100 {
          %add3A_117 = arith.constant 1 : i32
          %add3A_118 = arith.addi %while3A_79, %add3A_117 : i32
          %sub3A_119 = arith.constant 1 : i32
          %sub3A_120 = arith.subi %sub3A_119, %and3A_81 : i32
          %mul3A_121 = arith.constant 16 : i32
          %mul3A_122 = arith.muli %add3A_118, %mul3A_121 : i32
          %add3A_123 = arith.addi %mul3A_122, %arg1 : i32
          %mul3A_124 = arith.constant 6400 : i32
          %mul3A_125 = arith.muli %add3A_123, %mul3A_124 : i32
          %mul3A_126 = arith.constant 6400 : i32
          %mul3A_127 = arith.muli %sub3A_120, %mul3A_126 : i32
          %dma_start3A_128 = tpu.memref_slice %arg5[%mul3A_127] : memref<12800xf32, #tpu.memory_space<vmem>> -> memref<6400xf32, #tpu.memory_space<vmem>>
          %dma_start3A_129 = tpu.memref_slice %arg2[%add3A, %mul3A_125] : memref<8x4000000xf32, #tpu.memory_space<hbm>> -> memref<1x6400xf32, #tpu.memory_space<hbm>>
          %dma_start3A_130 = tpu.memref_squeeze %dma_start3A_129 : memref<1x6400xf32, #tpu.memory_space<hbm>> -> memref<6400xf32, #tpu.memory_space<hbm>>
          %dma_start3A_131 = tpu.memref_slice %arg5[%mul3A_127] : memref<12800xf32, #tpu.memory_space<vmem>> -> memref<6400xf32, #tpu.memory_space<vmem>>
          %dma_start3A_132 = tpu.memref_slice %arg2[%add3A, %mul3A_125] : memref<8x4000000xf32, #tpu.memory_space<hbm>> -> memref<1x6400xf32, #tpu.memory_space<hbm>>
          %dma_start3A_133 = tpu.memref_squeeze %dma_start3A_132 : memref<1x6400xf32, #tpu.memory_space<hbm>> -> memref<6400xf32, #tpu.memory_space<hbm>>
          tpu.enqueue_dma source(%dma_start3A_133 : memref<6400xf32, #tpu.memory_space<hbm>>) target(%dma_start3A_131 : memref<6400xf32, #tpu.memory_space<vmem>>) target_semaphore(%arg11 : memref<!tpu.dma_semaphore, #tpu.memory_space<semaphore_mem>>)
        } else {
        }
        %scan3A_101 = arith.constant 0 : i32
        %scan3A_102 = arith.constant 0 : i32
        %scan3A_103 = arith.constant 100 : i32
        %scan3A_104 = arith.addi %scan3A_102, %scan3A_103 : i32
        %scan3A_105 = arith.constant 4 : i32
        scf.for %scan3A_117 = %scan3A_102 to %scan3A_104 step %scan3A_105  : i32 {
          %mul3A_118 = arith.constant 64 : i32
          %mul3A_119 = arith.muli %scan3A_117, %mul3A_118 : i32
          %add3A_120 = arith.addi %mul3A_83, %mul3A_119 : i32
          %mul3A_121 = arith.constant 4 : i32
          %mul3A_122 = vector.broadcast %mul3A_121 : i32 to vector<16xi32>
          %mul3A_123 = arith.muli %iota3A, %mul3A_122 : vector<16xi32>
          %add3A_124 = vector.broadcast %add3A_120 : i32 to vector<16xi32>
          %add3A_125 = arith.addi %add3A_124, %mul3A_123 : vector<16xi32>
          %gather3A_126 = tpu.vector_load_idx %arg5[%add3A_125] : memref<12800xf32, #tpu.memory_space<vmem>>[vector<16xi32>], vector<16xf32>,
          %add3A_127 = arith.constant 1 : i32
          %add3A_128 = vector.broadcast %add3A_127 : i32 to vector<16xi32>
          %add3A_129 = arith.addi %add3A_125, %add3A_128 : vector<16xi32>
          %gather3A_130 = tpu.vector_load_idx %arg5[%add3A_129] : memref<12800xf32, #tpu.memory_space<vmem>>[vector<16xi32>], vector<16xf32>,
          %add3A_131 = arith.constant 2 : i32
          %add3A_132 = vector.broadcast %add3A_131 : i32 to vector<16xi32>
          %add3A_133 = arith.addi %add3A_125, %add3A_132 : vector<16xi32>
          %gather3A_134 = tpu.vector_load_idx %arg5[%add3A_133] : memref<12800xf32, #tpu.memory_space<vmem>>[vector<16xi32>], vector<16xf32>,
          %add3A_135 = arith.constant 3 : i32
          %add3A_136 = vector.broadcast %add3A_135 : i32 to vector<16xi32>
          %add3A_137 = arith.addi %add3A_125, %add3A_136 : vector<16xi32>
          %gather3A_138 = tpu.vector_load_idx %arg5[%add3A_137] : memref<12800xf32, #tpu.memory_space<vmem>>[vector<16xi32>], vector<16xf32>,
          %mul3A_139 = arith.constant 4.000000e+00 : f32
          %mul3A_140 = vector.broadcast %mul3A_139 : f32 to vector<16xf32>
          %mul3A_141 = arith.mulf %gather3A_126, %mul3A_140 : vector<16xf32>
          %sub3A_142 = arith.subf %mul3A_141, %mul3A_36 : vector<16xf32>
          %mul3A_143 = arith.mulf %sub3A_142, %div3A_33 : vector<16xf32>
          %convert_element_type3A_144 = arith.fptosi %mul3A_143 : vector<16xf32> to vector<16xi32>
          %convert_element_type3A_145 = arith.sitofp %convert_element_type3A_144 : vector<16xi32> to vector<16xf32>
          %lt3A_146 = arith.cmpf olt, %mul3A_143, %convert_element_type3A_145 : vector<16xf32>
          %sub3A_147 = arith.constant 1 : i32
          %sub3A_148 = vector.broadcast %sub3A_147 : i32 to vector<16xi32>
          %sub3A_149 = arith.subi %convert_element_type3A_144, %sub3A_148 : vector<16xi32>
          %select_n3A_150 = arith.select %lt3A_146, %sub3A_149, %convert_element_type3A_144 : vector<16xi1>, vector<16xi32>
          %convert_element_type3A_151 = arith.sitofp %select_n3A_150 : vector<16xi32> to vector<16xf32>
          %sub3A_152 = arith.subf %mul3A_143, %convert_element_type3A_151 : vector<16xf32>
          %eq3A_153 = arith.constant 0.000000e+00 : f32
          %eq3A_154 = vector.broadcast %eq3A_153 : f32 to vector<16xf32>
          %eq3A_155 = arith.cmpf oeq, %gather3A_138, %eq3A_154 : vector<16xf32>
          %jit3A_156 = arith.constant -1.000000e+00 : f32
          %broadcast_in_dim3A_157 = vector.broadcast %jit3A_156 : f32 to vector<16xf32>
          %select_n3A_158 = arith.select %eq3A_155, %broadcast_in_dim3A_157, %gather3A_138 : vector<16xi1>, vector<16xf32>
          %sub3A_159 = arith.constant 1.000000e+00 : f32
          %sub3A_160 = vector.broadcast %sub3A_159 : f32 to vector<16xf32>
          %sub3A_161 = arith.subf %sub3A_160, %sub3A_152 : vector<16xf32>
          %mul3A_162 = arith.mulf %select_n3A_158, %sub3A_161 : vector<16xf32>
          %mul3A_163 = arith.mulf %select_n3A_158, %sub3A_152 : vector<16xf32>
          %convert_element_type3A_164 = arith.fptosi %gather3A_130 : vector<16xf32> to vector<16xi32>
          %convert_element_type3A_165 = arith.fptosi %gather3A_134 : vector<16xf32> to vector<16xi32>
          %mul3A_166 = arith.constant 640 : i32
          %mul3A_167 = vector.broadcast %mul3A_166 : i32 to vector<16xi32>
          %mul3A_168 = arith.muli %convert_element_type3A_165, %mul3A_167 : vector<16xi32>
          %add3A_169 = arith.addi %convert_element_type3A_164, %mul3A_168 : vector<16xi32>
          %ge3A_170 = arith.constant 0 : i32
          %ge3A_171 = vector.broadcast %ge3A_170 : i32 to vector<16xi32>
          %ge3A_172 = arith.cmpi sge, %select_n3A_150, %ge3A_171 : vector<16xi32>
          %lt3A_173 = arith.constant 5 : i32
          %lt3A_174 = vector.broadcast %lt3A_173 : i32 to vector<16xi32>
          %lt3A_175 = arith.cmpi slt, %select_n3A_150, %lt3A_174 : vector<16xi32>
          %and3A_176 = arith.andi %ge3A_172, %lt3A_175 : vector<16xi1>
          %lt3A_177 = arith.constant 4 : i32
          %lt3A_178 = vector.broadcast %lt3A_177 : i32 to vector<16xi32>
          %lt3A_179 = arith.cmpi slt, %select_n3A_150, %lt3A_178 : vector<16xi32>
          %and3A_180 = arith.andi %ge3A_172, %lt3A_179 : vector<16xi1>
          %jit3A_181 = arith.constant 0 : i32
          %jit3A_182 = arith.constant 4 : i32
          %max3A = vector.broadcast %jit3A_181 : i32 to vector<16xi32>
          %max3A_183 = arith.maxsi %max3A, %select_n3A_150 : vector<16xi32>
          %min3A = vector.broadcast %jit3A_182 : i32 to vector<16xi32>
          %min3A_184 = arith.minsi %min3A, %max3A_183 : vector<16xi32>
          %add3A_185 = arith.constant 1 : i32
          %add3A_186 = vector.broadcast %add3A_185 : i32 to vector<16xi32>
          %add3A_187 = arith.addi %select_n3A_150, %add3A_186 : vector<16xi32>
          %jit3A_188 = arith.constant 0 : i32
          %jit3A_189 = arith.constant 4 : i32
          %max3A_190 = vector.broadcast %jit3A_188 : i32 to vector<16xi32>
          %max3A_191 = arith.maxsi %max3A_190, %add3A_187 : vector<16xi32>
          %min3A_192 = vector.broadcast %jit3A_189 : i32 to vector<16xi32>
          %min3A_193 = arith.minsi %min3A_192, %max3A_191 : vector<16xi32>
          %mul3A_194 = arith.constant 307200 : i32
          %mul3A_195 = vector.broadcast %mul3A_194 : i32 to vector<16xi32>
          %mul3A_196 = arith.muli %min3A_184, %mul3A_195 : vector<16xi32>
          %add3A_197 = arith.addi %add3A_169, %mul3A_196 : vector<16xi32>
          %mul3A_198 = arith.constant 307200 : i32
          %mul3A_199 = vector.broadcast %mul3A_198 : i32 to vector<16xi32>
          %mul3A_200 = arith.muli %min3A_193, %mul3A_199 : vector<16xi32>
          %add3A_201 = arith.addi %add3A_169, %mul3A_200 : vector<16xi32>
          %jit3A_202 = arith.constant 0.000000e+00 : f32
          %broadcast_in_dim3A_203 = vector.broadcast %jit3A_202 : f32 to vector<16xf32>
          %select_n3A_204 = arith.select %and3A_176, %mul3A_162, %broadcast_in_dim3A_203 : vector<16xi1>, vector<16xf32>
          %jit3A_205 = arith.constant 0.000000e+00 : f32
          %broadcast_in_dim3A_206 = vector.broadcast %jit3A_205 : f32 to vector<16xf32>
          %select_n3A_207 = arith.select %and3A_180, %mul3A_163, %broadcast_in_dim3A_206 : vector<16xi1>, vector<16xf32>
          %shift_right_arithmetic3A = arith.constant 2 : i32
          %shift_right_arithmetic3A_208 = arith.shrsi %scan3A_117, %shift_right_arithmetic3A : i32
          %add3A_209 = arith.addi %mul3A_85, %shift_right_arithmetic3A_208 : i32
          %and3A_210 = arith.constant 3 : i32
          %and3A_211 = arith.andi %scan3A_117, %and3A_210 : i32
          %mul3A_212 = arith.constant 32 : i32
          %mul3A_213 = arith.muli %and3A_211, %mul3A_212 : i32
          %swap3A = arith.index_cast %add3A_209 : i32 to index
          %swap3A_214 = arith.index_cast %mul3A_213 : i32 to index
          %swap3A_215 = tpu.vector_load %arg6[%swap3A, %swap3A_214] {strides = array<i32>} : memref<50x128xi32, #tpu.memory_space<vmem>>, vector<16xi32>,
          tpu.vector_store %arg6[%swap3A, %swap3A_214], %add3A_197 {strides = array<i32>} : memref<50x128xi32, #tpu.memory_space<vmem>>, vector<16xi32>,
          %add3A_216 = arith.constant 16 : i32
          %add3A_217 = arith.addi %mul3A_213, %add3A_216 : i32
          %swap3A_218 = arith.index_cast %add3A_209 : i32 to index
          %swap3A_219 = arith.index_cast %add3A_217 : i32 to index
          %swap3A_220 = tpu.vector_load %arg6[%swap3A_218, %swap3A_219] {strides = array<i32>} : memref<50x128xi32, #tpu.memory_space<vmem>>, vector<16xi32>,
          tpu.vector_store %arg6[%swap3A_218, %swap3A_219], %add3A_201 {strides = array<i32>} : memref<50x128xi32, #tpu.memory_space<vmem>>, vector<16xi32>,
          %swap3A_221 = arith.index_cast %add3A_209 : i32 to index
          %swap3A_222 = arith.index_cast %mul3A_213 : i32 to index
          %swap3A_223 = tpu.vector_load %arg7[%swap3A_221, %swap3A_222] {strides = array<i32>} : memref<50x128xf32, #tpu.memory_space<vmem>>, vector<16xf32>,
          tpu.vector_store %arg7[%swap3A_221, %swap3A_222], %select_n3A_204 {strides = array<i32>} : memref<50x128xf32, #tpu.memory_space<vmem>>, vector<16xf32>,
          %add3A_224 = arith.constant 16 : i32
          %add3A_225 = arith.addi %mul3A_213, %add3A_224 : i32
          %swap3A_226 = arith.index_cast %add3A_209 : i32 to index
          %swap3A_227 = arith.index_cast %add3A_225 : i32 to index
          %swap3A_228 = tpu.vector_load %arg7[%swap3A_226, %swap3A_227] {strides = array<i32>} : memref<50x128xf32, #tpu.memory_space<vmem>>, vector<16xf32>,
          tpu.vector_store %arg7[%swap3A_226, %swap3A_227], %select_n3A_207 {strides = array<i32>} : memref<50x128xf32, #tpu.memory_space<vmem>>, vector<16xf32>,
          %scan3A_229 = arith.constant 1 : i32
          %scan3A_230 = arith.addi %scan3A_117, %scan3A_229 : i32
          %mul3A_231 = arith.constant 64 : i32
          %mul3A_232 = arith.muli %scan3A_230, %mul3A_231 : i32
          %add3A_233 = arith.addi %mul3A_83, %mul3A_232 : i32
          %mul3A_234 = arith.constant 4 : i32
          %mul3A_235 = vector.broadcast %mul3A_234 : i32 to vector<16xi32>
          %mul3A_236 = arith.muli %iota3A, %mul3A_235 : vector<16xi32>
          %add3A_237 = vector.broadcast %add3A_233 : i32 to vector<16xi32>
          %add3A_238 = arith.addi %add3A_237, %mul3A_236 : vector<16xi32>
          %gather3A_239 = tpu.vector_load_idx %arg5[%add3A_238] : memref<12800xf32, #tpu.memory_space<vmem>>[vector<16xi32>], vector<16xf32>,
          %add3A_240 = arith.constant 1 : i32
          %add3A_241 = vector.broadcast %add3A_240 : i32 to vector<16xi32>
          %add3A_242 = arith.addi %add3A_238, %add3A_241 : vector<16xi32>
          %gather3A_243 = tpu.vector_load_idx %arg5[%add3A_242] : memref<12800xf32, #tpu.memory_space<vmem>>[vector<16xi32>], vector<16xf32>,
          %add3A_244 = arith.constant 2 : i32
          %add3A_245 = vector.broadcast %add3A_244 : i32 to vector<16xi32>
          %add3A_246 = arith.addi %add3A_238, %add3A_245 : vector<16xi32>
          %gather3A_247 = tpu.vector_load_idx %arg5[%add3A_246] : memref<12800xf32, #tpu.memory_space<vmem>>[vector<16xi32>], vector<16xf32>,
          %add3A_248 = arith.constant 3 : i32
          %add3A_249 = vector.broadcast %add3A_248 : i32 to vector<16xi32>
          %add3A_250 = arith.addi %add3A_238, %add3A_249 : vector<16xi32>
          %gather3A_251 = tpu.vector_load_idx %arg5[%add3A_250] : memref<12800xf32, #tpu.memory_space<vmem>>[vector<16xi32>], vector<16xf32>,
          %mul3A_252 = arith.constant 4.000000e+00 : f32
          %mul3A_253 = vector.broadcast %mul3A_252 : f32 to vector<16xf32>
          %mul3A_254 = arith.mulf %gather3A_239, %mul3A_253 : vector<16xf32>
          %sub3A_255 = arith.subf %mul3A_254, %mul3A_36 : vector<16xf32>
          %mul3A_256 = arith.mulf %sub3A_255, %div3A_33 : vector<16xf32>
          %convert_element_type3A_257 = arith.fptosi %mul3A_256 : vector<16xf32> to vector<16xi32>
          %convert_element_type3A_258 = arith.sitofp %convert_element_type3A_257 : vector<16xi32> to vector<16xf32>
          %lt3A_259 = arith.cmpf olt, %mul3A_256, %convert_element_type3A_258 : vector<16xf32>
          %sub3A_260 = arith.constant 1 : i32
          %sub3A_261 = vector.broadcast %sub3A_260 : i32 to vector<16xi32>
          %sub3A_262 = arith.subi %convert_element_type3A_257, %sub3A_261 : vector<16xi32>
          %select_n3A_263 = arith.select %lt3A_259, %sub3A_262, %convert_element_type3A_257 : vector<16xi1>, vector<16xi32>
          %convert_element_type3A_264 = arith.sitofp %select_n3A_263 : vector<16xi32> to vector<16xf32>
          %sub3A_265 = arith.subf %mul3A_256, %convert_element_type3A_264 : vector<16xf32>
          %eq3A_266 = arith.constant 0.000000e+00 : f32
          %eq3A_267 = vector.broadcast %eq3A_266 : f32 to vector<16xf32>
          %eq3A_268 = arith.cmpf oeq, %gather3A_251, %eq3A_267 : vector<16xf32>
          %jit3A_269 = arith.constant -1.000000e+00 : f32
          %broadcast_in_dim3A_270 = vector.broadcast %jit3A_269 : f32 to vector<16xf32>
          %select_n3A_271 = arith.select %eq3A_268, %broadcast_in_dim3A_270, %gather3A_251 : vector<16xi1>, vector<16xf32>
          %sub3A_272 = arith.constant 1.000000e+00 : f32
          %sub3A_273 = vector.broadcast %sub3A_272 : f32 to vector<16xf32>
          %sub3A_274 = arith.subf %sub3A_273, %sub3A_265 : vector<16xf32>
          %mul3A_275 = arith.mulf %select_n3A_271, %sub3A_274 : vector<16xf32>
          %mul3A_276 = arith.mulf %select_n3A_271, %sub3A_265 : vector<16xf32>
          %convert_element_type3A_277 = arith.fptosi %gather3A_243 : vector<16xf32> to vector<16xi32>
          %convert_element_type3A_278 = arith.fptosi %gather3A_247 : vector<16xf32> to vector<16xi32>
          %mul3A_279 = arith.constant 640 : i32
          %mul3A_280 = vector.broadcast %mul3A_279 : i32 to vector<16xi32>
          %mul3A_281 = arith.muli %convert_element_type3A_278, %mul3A_280 : vector<16xi32>
          %add3A_282 = arith.addi %convert_element_type3A_277, %mul3A_281 : vector<16xi32>
          %ge3A_283 = arith.constant 0 : i32
          %ge3A_284 = vector.broadcast %ge3A_283 : i32 to vector<16xi32>
          %ge3A_285 = arith.cmpi sge, %select_n3A_263, %ge3A_284 : vector<16xi32>
          %lt3A_286 = arith.constant 5 : i32
          %lt3A_287 = vector.broadcast %lt3A_286 : i32 to vector<16xi32>
          %lt3A_288 = arith.cmpi slt, %select_n3A_263, %lt3A_287 : vector<16xi32>
          %and3A_289 = arith.andi %ge3A_285, %lt3A_288 : vector<16xi1>
          %lt3A_290 = arith.constant 4 : i32
          %lt3A_291 = vector.broadcast %lt3A_290 : i32 to vector<16xi32>
          %lt3A_292 = arith.cmpi slt, %select_n3A_263, %lt3A_291 : vector<16xi32>
          %and3A_293 = arith.andi %ge3A_285, %lt3A_292 : vector<16xi1>
          %jit3A_294 = arith.constant 0 : i32
          %jit3A_295 = arith.constant 4 : i32
          %max3A_296 = vector.broadcast %jit3A_294 : i32 to vector<16xi32>
          %max3A_297 = arith.maxsi %max3A_296, %select_n3A_263 : vector<16xi32>
          %min3A_298 = vector.broadcast %jit3A_295 : i32 to vector<16xi32>
          %min3A_299 = arith.minsi %min3A_298, %max3A_297 : vector<16xi32>
          %add3A_300 = arith.constant 1 : i32
          %add3A_301 = vector.broadcast %add3A_300 : i32 to vector<16xi32>
          %add3A_302 = arith.addi %select_n3A_263, %add3A_301 : vector<16xi32>
          %jit3A_303 = arith.constant 0 : i32
          %jit3A_304 = arith.constant 4 : i32
          %max3A_305 = vector.broadcast %jit3A_303 : i32 to vector<16xi32>
          %max3A_306 = arith.maxsi %max3A_305, %add3A_302 : vector<16xi32>
          %min3A_307 = vector.broadcast %jit3A_304 : i32 to vector<16xi32>
          %min3A_308 = arith.minsi %min3A_307, %max3A_306 : vector<16xi32>
          %mul3A_309 = arith.constant 307200 : i32
          %mul3A_310 = vector.broadcast %mul3A_309 : i32 to vector<16xi32>
          %mul3A_311 = arith.muli %min3A_299, %mul3A_310 : vector<16xi32>
          %add3A_312 = arith.addi %add3A_282, %mul3A_311 : vector<16xi32>
          %mul3A_313 = arith.constant 307200 : i32
          %mul3A_314 = vector.broadcast %mul3A_313 : i32 to vector<16xi32>
          %mul3A_315 = arith.muli %min3A_308, %mul3A_314 : vector<16xi32>
          %add3A_316 = arith.addi %add3A_282, %mul3A_315 : vector<16xi32>
          %jit3A_317 = arith.constant 0.000000e+00 : f32
          %broadcast_in_dim3A_318 = vector.broadcast %jit3A_317 : f32 to vector<16xf32>
          %select_n3A_319 = arith.select %and3A_289, %mul3A_275, %broadcast_in_dim3A_318 : vector<16xi1>, vector<16xf32>
          %jit3A_320 = arith.constant 0.000000e+00 : f32
          %broadcast_in_dim3A_321 = vector.broadcast %jit3A_320 : f32 to vector<16xf32>
          %select_n3A_322 = arith.select %and3A_293, %mul3A_276, %broadcast_in_dim3A_321 : vector<16xi1>, vector<16xf32>
          %shift_right_arithmetic3A_323 = arith.constant 2 : i32
          %shift_right_arithmetic3A_324 = arith.shrsi %scan3A_230, %shift_right_arithmetic3A_323 : i32
          %add3A_325 = arith.addi %mul3A_85, %shift_right_arithmetic3A_324 : i32
          %and3A_326 = arith.constant 3 : i32
          %and3A_327 = arith.andi %scan3A_230, %and3A_326 : i32
          %mul3A_328 = arith.constant 32 : i32
          %mul3A_329 = arith.muli %and3A_327, %mul3A_328 : i32
          %swap3A_330 = arith.index_cast %add3A_325 : i32 to index
          %swap3A_331 = arith.index_cast %mul3A_329 : i32 to index
          %swap3A_332 = tpu.vector_load %arg6[%swap3A_330, %swap3A_331] {strides = array<i32>} : memref<50x128xi32, #tpu.memory_space<vmem>>, vector<16xi32>,
          tpu.vector_store %arg6[%swap3A_330, %swap3A_331], %add3A_312 {strides = array<i32>} : memref<50x128xi32, #tpu.memory_space<vmem>>, vector<16xi32>,
          %add3A_333 = arith.constant 16 : i32
          %add3A_334 = arith.addi %mul3A_329, %add3A_333 : i32
          %swap3A_335 = arith.index_cast %add3A_325 : i32 to index
          %swap3A_336 = arith.index_cast %add3A_334 : i32 to index
          %swap3A_337 = tpu.vector_load %arg6[%swap3A_335, %swap3A_336] {strides = array<i32>} : memref<50x128xi32, #tpu.memory_space<vmem>>, vector<16xi32>,
          tpu.vector_store %arg6[%swap3A_335, %swap3A_336], %add3A_316 {strides = array<i32>} : memref<50x128xi32, #tpu.memory_space<vmem>>, vector<16xi32>,
          %swap3A_338 = arith.index_cast %add3A_325 : i32 to index
          %swap3A_339 = arith.index_cast %mul3A_329 : i32 to index
          %swap3A_340 = tpu.vector_load %arg7[%swap3A_338, %swap3A_339] {strides = array<i32>} : memref<50x128xf32, #tpu.memory_space<vmem>>, vector<16xf32>,
          tpu.vector_store %arg7[%swap3A_338, %swap3A_339], %select_n3A_319 {strides = array<i32>} : memref<50x128xf32, #tpu.memory_space<vmem>>, vector<16xf32>,
          %add3A_341 = arith.constant 16 : i32
          %add3A_342 = arith.addi %mul3A_329, %add3A_341 : i32
          %swap3A_343 = arith.index_cast %add3A_325 : i32 to index
          %swap3A_344 = arith.index_cast %add3A_342 : i32 to index
          %swap3A_345 = tpu.vector_load %arg7[%swap3A_343, %swap3A_344] {strides = array<i32>} : memref<50x128xf32, #tpu.memory_space<vmem>>, vector<16xf32>,
          tpu.vector_store %arg7[%swap3A_343, %swap3A_344], %select_n3A_322 {strides = array<i32>} : memref<50x128xf32, #tpu.memory_space<vmem>>, vector<16xf32>,
          %scan3A_346 = arith.constant 2 : i32
          %scan3A_347 = arith.addi %scan3A_117, %scan3A_346 : i32
          %mul3A_348 = arith.constant 64 : i32
          %mul3A_349 = arith.muli %scan3A_347, %mul3A_348 : i32
          %add3A_350 = arith.addi %mul3A_83, %mul3A_349 : i32
          %mul3A_351 = arith.constant 4 : i32
          %mul3A_352 = vector.broadcast %mul3A_351 : i32 to vector<16xi32>
          %mul3A_353 = arith.muli %iota3A, %mul3A_352 : vector<16xi32>
          %add3A_354 = vector.broadcast %add3A_350 : i32 to vector<16xi32>
          %add3A_355 = arith.addi %add3A_354, %mul3A_353 : vector<16xi32>
          %gather3A_356 = tpu.vector_load_idx %arg5[%add3A_355] : memref<12800xf32, #tpu.memory_space<vmem>>[vector<16xi32>], vector<16xf32>,
          %add3A_357 = arith.constant 1 : i32
          %add3A_358 = vector.broadcast %add3A_357 : i32 to vector<16xi32>
          %add3A_359 = arith.addi %add3A_355, %add3A_358 : vector<16xi32>
          %gather3A_360 = tpu.vector_load_idx %arg5[%add3A_359] : memref<12800xf32, #tpu.memory_space<vmem>>[vector<16xi32>], vector<16xf32>,
          %add3A_361 = arith.constant 2 : i32
          %add3A_362 = vector.broadcast %add3A_361 : i32 to vector<16xi32>
          %add3A_363 = arith.addi %add3A_355, %add3A_362 : vector<16xi32>
          %gather3A_364 = tpu.vector_load_idx %arg5[%add3A_363] : memref<12800xf32, #tpu.memory_space<vmem>>[vector<16xi32>], vector<16xf32>,
          %add3A_365 = arith.constant 3 : i32
          %add3A_366 = vector.broadcast %add3A_365 : i32 to vector<16xi32>
          %add3A_367 = arith.addi %add3A_355, %add3A_366 : vector<16xi32>
          %gather3A_368 = tpu.vector_load_idx %arg5[%add3A_367] : memref<12800xf32, #tpu.memory_space<vmem>>[vector<16xi32>], vector<16xf32>,
          %mul3A_369 = arith.constant 4.000000e+00 : f32
          %mul3A_370 = vector.broadcast %mul3A_369 : f32 to vector<16xf32>
          %mul3A_371 = arith.mulf %gather3A_356, %mul3A_370 : vector<16xf32>
          %sub3A_372 = arith.subf %mul3A_371, %mul3A_36 : vector<16xf32>
          %mul3A_373 = arith.mulf %sub3A_372, %div3A_33 : vector<16xf32>
          %convert_element_type3A_374 = arith.fptosi %mul3A_373 : vector<16xf32> to vector<16xi32>
          %convert_element_type3A_375 = arith.sitofp %convert_element_type3A_374 : vector<16xi32> to vector<16xf32>
          %lt3A_376 = arith.cmpf olt, %mul3A_373, %convert_element_type3A_375 : vector<16xf32>
          %sub3A_377 = arith.constant 1 : i32
          %sub3A_378 = vector.broadcast %sub3A_377 : i32 to vector<16xi32>
          %sub3A_379 = arith.subi %convert_element_type3A_374, %sub3A_378 : vector<16xi32>
          %select_n3A_380 = arith.select %lt3A_376, %sub3A_379, %convert_element_type3A_374 : vector<16xi1>, vector<16xi32>
          %convert_element_type3A_381 = arith.sitofp %select_n3A_380 : vector<16xi32> to vector<16xf32>
          %sub3A_382 = arith.subf %mul3A_373, %convert_element_type3A_381 : vector<16xf32>
          %eq3A_383 = arith.constant 0.000000e+00 : f32
          %eq3A_384 = vector.broadcast %eq3A_383 : f32 to vector<16xf32>
          %eq3A_385 = arith.cmpf oeq, %gather3A_368, %eq3A_384 : vector<16xf32>
          %jit3A_386 = arith.constant -1.000000e+00 : f32
          %broadcast_in_dim3A_387 = vector.broadcast %jit3A_386 : f32 to vector<16xf32>
          %select_n3A_388 = arith.select %eq3A_385, %broadcast_in_dim3A_387, %gather3A_368 : vector<16xi1>, vector<16xf32>
          %sub3A_389 = arith.constant 1.000000e+00 : f32
          %sub3A_390 = vector.broadcast %sub3A_389 : f32 to vector<16xf32>
          %sub3A_391 = arith.subf %sub3A_390, %sub3A_382 : vector<16xf32>
          %mul3A_392 = arith.mulf %select_n3A_388, %sub3A_391 : vector<16xf32>
          %mul3A_393 = arith.mulf %select_n3A_388, %sub3A_382 : vector<16xf32>
          %convert_element_type3A_394 = arith.fptosi %gather3A_360 : vector<16xf32> to vector<16xi32>
          %convert_element_type3A_395 = arith.fptosi %gather3A_364 : vector<16xf32> to vector<16xi32>
          %mul3A_396 = arith.constant 640 : i32
          %mul3A_397 = vector.broadcast %mul3A_396 : i32 to vector<16xi32>
          %mul3A_398 = arith.muli %convert_element_type3A_395, %mul3A_397 : vector<16xi32>
          %add3A_399 = arith.addi %convert_element_type3A_394, %mul3A_398 : vector<16xi32>
          %ge3A_400 = arith.constant 0 : i32
          %ge3A_401 = vector.broadcast %ge3A_400 : i32 to vector<16xi32>
          %ge3A_402 = arith.cmpi sge, %select_n3A_380, %ge3A_401 : vector<16xi32>
          %lt3A_403 = arith.constant 5 : i32
          %lt3A_404 = vector.broadcast %lt3A_403 : i32 to vector<16xi32>
          %lt3A_405 = arith.cmpi slt, %select_n3A_380, %lt3A_404 : vector<16xi32>
          %and3A_406 = arith.andi %ge3A_402, %lt3A_405 : vector<16xi1>
          %lt3A_407 = arith.constant 4 : i32
          %lt3A_408 = vector.broadcast %lt3A_407 : i32 to vector<16xi32>
          %lt3A_409 = arith.cmpi slt, %select_n3A_380, %lt3A_408 : vector<16xi32>
          %and3A_410 = arith.andi %ge3A_402, %lt3A_409 : vector<16xi1>
          %jit3A_411 = arith.constant 0 : i32
          %jit3A_412 = arith.constant 4 : i32
          %max3A_413 = vector.broadcast %jit3A_411 : i32 to vector<16xi32>
          %max3A_414 = arith.maxsi %max3A_413, %select_n3A_380 : vector<16xi32>
          %min3A_415 = vector.broadcast %jit3A_412 : i32 to vector<16xi32>
          %min3A_416 = arith.minsi %min3A_415, %max3A_414 : vector<16xi32>
          %add3A_417 = arith.constant 1 : i32
          %add3A_418 = vector.broadcast %add3A_417 : i32 to vector<16xi32>
          %add3A_419 = arith.addi %select_n3A_380, %add3A_418 : vector<16xi32>
          %jit3A_420 = arith.constant 0 : i32
          %jit3A_421 = arith.constant 4 : i32
          %max3A_422 = vector.broadcast %jit3A_420 : i32 to vector<16xi32>
          %max3A_423 = arith.maxsi %max3A_422, %add3A_419 : vector<16xi32>
          %min3A_424 = vector.broadcast %jit3A_421 : i32 to vector<16xi32>
          %min3A_425 = arith.minsi %min3A_424, %max3A_423 : vector<16xi32>
          %mul3A_426 = arith.constant 307200 : i32
          %mul3A_427 = vector.broadcast %mul3A_426 : i32 to vector<16xi32>
          %mul3A_428 = arith.muli %min3A_416, %mul3A_427 : vector<16xi32>
          %add3A_429 = arith.addi %add3A_399, %mul3A_428 : vector<16xi32>
          %mul3A_430 = arith.constant 307200 : i32
          %mul3A_431 = vector.broadcast %mul3A_430 : i32 to vector<16xi32>
          %mul3A_432 = arith.muli %min3A_425, %mul3A_431 : vector<16xi32>
          %add3A_433 = arith.addi %add3A_399, %mul3A_432 : vector<16xi32>
          %jit3A_434 = arith.constant 0.000000e+00 : f32
          %broadcast_in_dim3A_435 = vector.broadcast %jit3A_434 : f32 to vector<16xf32>
          %select_n3A_436 = arith.select %and3A_406, %mul3A_392, %broadcast_in_dim3A_435 : vector<16xi1>, vector<16xf32>
          %jit3A_437 = arith.constant 0.000000e+00 : f32
          %broadcast_in_dim3A_438 = vector.broadcast %jit3A_437 : f32 to vector<16xf32>
          %select_n3A_439 = arith.select %and3A_410, %mul3A_393, %broadcast_in_dim3A_438 : vector<16xi1>, vector<16xf32>
          %shift_right_arithmetic3A_440 = arith.constant 2 : i32
          %shift_right_arithmetic3A_441 = arith.shrsi %scan3A_347, %shift_right_arithmetic3A_440 : i32
          %add3A_442 = arith.addi %mul3A_85, %shift_right_arithmetic3A_441 : i32
          %and3A_443 = arith.constant 3 : i32
          %and3A_444 = arith.andi %scan3A_347, %and3A_443 : i32
          %mul3A_445 = arith.constant 32 : i32
          %mul3A_446 = arith.muli %and3A_444, %mul3A_445 : i32
          %swap3A_447 = arith.index_cast %add3A_442 : i32 to index
          %swap3A_448 = arith.index_cast %mul3A_446 : i32 to index
          %swap3A_449 = tpu.vector_load %arg6[%swap3A_447, %swap3A_448] {strides = array<i32>} : memref<50x128xi32, #tpu.memory_space<vmem>>, vector<16xi32>,
          tpu.vector_store %arg6[%swap3A_447, %swap3A_448], %add3A_429 {strides = array<i32>} : memref<50x128xi32, #tpu.memory_space<vmem>>, vector<16xi32>,
          %add3A_450 = arith.constant 16 : i32
          %add3A_451 = arith.addi %mul3A_446, %add3A_450 : i32
          %swap3A_452 = arith.index_cast %add3A_442 : i32 to index
          %swap3A_453 = arith.index_cast %add3A_451 : i32 to index
          %swap3A_454 = tpu.vector_load %arg6[%swap3A_452, %swap3A_453] {strides = array<i32>} : memref<50x128xi32, #tpu.memory_space<vmem>>, vector<16xi32>,
          tpu.vector_store %arg6[%swap3A_452, %swap3A_453], %add3A_433 {strides = array<i32>} : memref<50x128xi32, #tpu.memory_space<vmem>>, vector<16xi32>,
          %swap3A_455 = arith.index_cast %add3A_442 : i32 to index
          %swap3A_456 = arith.index_cast %mul3A_446 : i32 to index
          %swap3A_457 = tpu.vector_load %arg7[%swap3A_455, %swap3A_456] {strides = array<i32>} : memref<50x128xf32, #tpu.memory_space<vmem>>, vector<16xf32>,
          tpu.vector_store %arg7[%swap3A_455, %swap3A_456], %select_n3A_436 {strides = array<i32>} : memref<50x128xf32, #tpu.memory_space<vmem>>, vector<16xf32>,
          %add3A_458 = arith.constant 16 : i32
          %add3A_459 = arith.addi %mul3A_446, %add3A_458 : i32
          %swap3A_460 = arith.index_cast %add3A_442 : i32 to index
          %swap3A_461 = arith.index_cast %add3A_459 : i32 to index
          %swap3A_462 = tpu.vector_load %arg7[%swap3A_460, %swap3A_461] {strides = array<i32>} : memref<50x128xf32, #tpu.memory_space<vmem>>, vector<16xf32>,
          tpu.vector_store %arg7[%swap3A_460, %swap3A_461], %select_n3A_439 {strides = array<i32>} : memref<50x128xf32, #tpu.memory_space<vmem>>, vector<16xf32>,
          %scan3A_463 = arith.constant 3 : i32
          %scan3A_464 = arith.addi %scan3A_117, %scan3A_463 : i32
          %mul3A_465 = arith.constant 64 : i32
          %mul3A_466 = arith.muli %scan3A_464, %mul3A_465 : i32
          %add3A_467 = arith.addi %mul3A_83, %mul3A_466 : i32
          %mul3A_468 = arith.constant 4 : i32
          %mul3A_469 = vector.broadcast %mul3A_468 : i32 to vector<16xi32>
          %mul3A_470 = arith.muli %iota3A, %mul3A_469 : vector<16xi32>
          %add3A_471 = vector.broadcast %add3A_467 : i32 to vector<16xi32>
          %add3A_472 = arith.addi %add3A_471, %mul3A_470 : vector<16xi32>
          %gather3A_473 = tpu.vector_load_idx %arg5[%add3A_472] : memref<12800xf32, #tpu.memory_space<vmem>>[vector<16xi32>], vector<16xf32>,
          %add3A_474 = arith.constant 1 : i32
          %add3A_475 = vector.broadcast %add3A_474 : i32 to vector<16xi32>
          %add3A_476 = arith.addi %add3A_472, %add3A_475 : vector<16xi32>
          %gather3A_477 = tpu.vector_load_idx %arg5[%add3A_476] : memref<12800xf32, #tpu.memory_space<vmem>>[vector<16xi32>], vector<16xf32>,
          %add3A_478 = arith.constant 2 : i32
          %add3A_479 = vector.broadcast %add3A_478 : i32 to vector<16xi32>
          %add3A_480 = arith.addi %add3A_472, %add3A_479 : vector<16xi32>
          %gather3A_481 = tpu.vector_load_idx %arg5[%add3A_480] : memref<12800xf32, #tpu.memory_space<vmem>>[vector<16xi32>], vector<16xf32>,
          %add3A_482 = arith.constant 3 : i32
          %add3A_483 = vector.broadcast %add3A_482 : i32 to vector<16xi32>
          %add3A_484 = arith.addi %add3A_472, %add3A_483 : vector<16xi32>
          %gather3A_485 = tpu.vector_load_idx %arg5[%add3A_484] : memref<12800xf32, #tpu.memory_space<vmem>>[vector<16xi32>], vector<16xf32>,
          %mul3A_486 = arith.constant 4.000000e+00 : f32
          %mul3A_487 = vector.broadcast %mul3A_486 : f32 to vector<16xf32>
          %mul3A_488 = arith.mulf %gather3A_473, %mul3A_487 : vector<16xf32>
          %sub3A_489 = arith.subf %mul3A_488, %mul3A_36 : vector<16xf32>
          %mul3A_490 = arith.mulf %sub3A_489, %div3A_33 : vector<16xf32>
          %convert_element_type3A_491 = arith.fptosi %mul3A_490 : vector<16xf32> to vector<16xi32>
          %convert_element_type3A_492 = arith.sitofp %convert_element_type3A_491 : vector<16xi32> to vector<16xf32>
          %lt3A_493 = arith.cmpf olt, %mul3A_490, %convert_element_type3A_492 : vector<16xf32>
          %sub3A_494 = arith.constant 1 : i32
          %sub3A_495 = vector.broadcast %sub3A_494 : i32 to vector<16xi32>
          %sub3A_496 = arith.subi %convert_element_type3A_491, %sub3A_495 : vector<16xi32>
          %select_n3A_497 = arith.select %lt3A_493, %sub3A_496, %convert_element_type3A_491 : vector<16xi1>, vector<16xi32>
          %convert_element_type3A_498 = arith.sitofp %select_n3A_497 : vector<16xi32> to vector<16xf32>
          %sub3A_499 = arith.subf %mul3A_490, %convert_element_type3A_498 : vector<16xf32>
          %eq3A_500 = arith.constant 0.000000e+00 : f32
          %eq3A_501 = vector.broadcast %eq3A_500 : f32 to vector<16xf32>
          %eq3A_502 = arith.cmpf oeq, %gather3A_485, %eq3A_501 : vector<16xf32>
          %jit3A_503 = arith.constant -1.000000e+00 : f32
          %broadcast_in_dim3A_504 = vector.broadcast %jit3A_503 : f32 to vector<16xf32>
          %select_n3A_505 = arith.select %eq3A_502, %broadcast_in_dim3A_504, %gather3A_485 : vector<16xi1>, vector<16xf32>
          %sub3A_506 = arith.constant 1.000000e+00 : f32
          %sub3A_507 = vector.broadcast %sub3A_506 : f32 to vector<16xf32>
          %sub3A_508 = arith.subf %sub3A_507, %sub3A_499 : vector<16xf32>
          %mul3A_509 = arith.mulf %select_n3A_505, %sub3A_508 : vector<16xf32>
          %mul3A_510 = arith.mulf %select_n3A_505, %sub3A_499 : vector<16xf32>
          %convert_element_type3A_511 = arith.fptosi %gather3A_477 : vector<16xf32> to vector<16xi32>
          %convert_element_type3A_512 = arith.fptosi %gather3A_481 : vector<16xf32> to vector<16xi32>
          %mul3A_513 = arith.constant 640 : i32
          %mul3A_514 = vector.broadcast %mul3A_513 : i32 to vector<16xi32>
          %mul3A_515 = arith.muli %convert_element_type3A_512, %mul3A_514 : vector<16xi32>
          %add3A_516 = arith.addi %convert_element_type3A_511, %mul3A_515 : vector<16xi32>
          %ge3A_517 = arith.constant 0 : i32
          %ge3A_518 = vector.broadcast %ge3A_517 : i32 to vector<16xi32>
          %ge3A_519 = arith.cmpi sge, %select_n3A_497, %ge3A_518 : vector<16xi32>
          %lt3A_520 = arith.constant 5 : i32
          %lt3A_521 = vector.broadcast %lt3A_520 : i32 to vector<16xi32>
          %lt3A_522 = arith.cmpi slt, %select_n3A_497, %lt3A_521 : vector<16xi32>
          %and3A_523 = arith.andi %ge3A_519, %lt3A_522 : vector<16xi1>
          %lt3A_524 = arith.constant 4 : i32
          %lt3A_525 = vector.broadcast %lt3A_524 : i32 to vector<16xi32>
          %lt3A_526 = arith.cmpi slt, %select_n3A_497, %lt3A_525 : vector<16xi32>
          %and3A_527 = arith.andi %ge3A_519, %lt3A_526 : vector<16xi1>
          %jit3A_528 = arith.constant 0 : i32
          %jit3A_529 = arith.constant 4 : i32
          %max3A_530 = vector.broadcast %jit3A_528 : i32 to vector<16xi32>
          %max3A_531 = arith.maxsi %max3A_530, %select_n3A_497 : vector<16xi32>
          %min3A_532 = vector.broadcast %jit3A_529 : i32 to vector<16xi32>
          %min3A_533 = arith.minsi %min3A_532, %max3A_531 : vector<16xi32>
          %add3A_534 = arith.constant 1 : i32
          %add3A_535 = vector.broadcast %add3A_534 : i32 to vector<16xi32>
          %add3A_536 = arith.addi %select_n3A_497, %add3A_535 : vector<16xi32>
          %jit3A_537 = arith.constant 0 : i32
          %jit3A_538 = arith.constant 4 : i32
          %max3A_539 = vector.broadcast %jit3A_537 : i32 to vector<16xi32>
          %max3A_540 = arith.maxsi %max3A_539, %add3A_536 : vector<16xi32>
          %min3A_541 = vector.broadcast %jit3A_538 : i32 to vector<16xi32>
          %min3A_542 = arith.minsi %min3A_541, %max3A_540 : vector<16xi32>
          %mul3A_543 = arith.constant 307200 : i32
          %mul3A_544 = vector.broadcast %mul3A_543 : i32 to vector<16xi32>
          %mul3A_545 = arith.muli %min3A_533, %mul3A_544 : vector<16xi32>
          %add3A_546 = arith.addi %add3A_516, %mul3A_545 : vector<16xi32>
          %mul3A_547 = arith.constant 307200 : i32
          %mul3A_548 = vector.broadcast %mul3A_547 : i32 to vector<16xi32>
          %mul3A_549 = arith.muli %min3A_542, %mul3A_548 : vector<16xi32>
          %add3A_550 = arith.addi %add3A_516, %mul3A_549 : vector<16xi32>
          %jit3A_551 = arith.constant 0.000000e+00 : f32
          %broadcast_in_dim3A_552 = vector.broadcast %jit3A_551 : f32 to vector<16xf32>
          %select_n3A_553 = arith.select %and3A_523, %mul3A_509, %broadcast_in_dim3A_552 : vector<16xi1>, vector<16xf32>
          %jit3A_554 = arith.constant 0.000000e+00 : f32
          %broadcast_in_dim3A_555 = vector.broadcast %jit3A_554 : f32 to vector<16xf32>
          %select_n3A_556 = arith.select %and3A_527, %mul3A_510, %broadcast_in_dim3A_555 : vector<16xi1>, vector<16xf32>
          %shift_right_arithmetic3A_557 = arith.constant 2 : i32
          %shift_right_arithmetic3A_558 = arith.shrsi %scan3A_464, %shift_right_arithmetic3A_557 : i32
          %add3A_559 = arith.addi %mul3A_85, %shift_right_arithmetic3A_558 : i32
          %and3A_560 = arith.constant 3 : i32
          %and3A_561 = arith.andi %scan3A_464, %and3A_560 : i32
          %mul3A_562 = arith.constant 32 : i32
          %mul3A_563 = arith.muli %and3A_561, %mul3A_562 : i32
          %swap3A_564 = arith.index_cast %add3A_559 : i32 to index
          %swap3A_565 = arith.index_cast %mul3A_563 : i32 to index
          %swap3A_566 = tpu.vector_load %arg6[%swap3A_564, %swap3A_565] {strides = array<i32>} : memref<50x128xi32, #tpu.memory_space<vmem>>, vector<16xi32>,
          tpu.vector_store %arg6[%swap3A_564, %swap3A_565], %add3A_546 {strides = array<i32>} : memref<50x128xi32, #tpu.memory_space<vmem>>, vector<16xi32>,
          %add3A_567 = arith.constant 16 : i32
          %add3A_568 = arith.addi %mul3A_563, %add3A_567 : i32
          %swap3A_569 = arith.index_cast %add3A_559 : i32 to index
          %swap3A_570 = arith.index_cast %add3A_568 : i32 to index
          %swap3A_571 = tpu.vector_load %arg6[%swap3A_569, %swap3A_570] {strides = array<i32>} : memref<50x128xi32, #tpu.memory_space<vmem>>, vector<16xi32>,
          tpu.vector_store %arg6[%swap3A_569, %swap3A_570], %add3A_550 {strides = array<i32>} : memref<50x128xi32, #tpu.memory_space<vmem>>, vector<16xi32>,
          %swap3A_572 = arith.index_cast %add3A_559 : i32 to index
          %swap3A_573 = arith.index_cast %mul3A_563 : i32 to index
          %swap3A_574 = tpu.vector_load %arg7[%swap3A_572, %swap3A_573] {strides = array<i32>} : memref<50x128xf32, #tpu.memory_space<vmem>>, vector<16xf32>,
          tpu.vector_store %arg7[%swap3A_572, %swap3A_573], %select_n3A_553 {strides = array<i32>} : memref<50x128xf32, #tpu.memory_space<vmem>>, vector<16xf32>,
          %add3A_575 = arith.constant 16 : i32
          %add3A_576 = arith.addi %mul3A_563, %add3A_575 : i32
          %swap3A_577 = arith.index_cast %add3A_559 : i32 to index
          %swap3A_578 = arith.index_cast %add3A_576 : i32 to index
          %swap3A_579 = tpu.vector_load %arg7[%swap3A_577, %swap3A_578] {strides = array<i32>} : memref<50x128xf32, #tpu.memory_space<vmem>>, vector<16xf32>,
          tpu.vector_store %arg7[%swap3A_577, %swap3A_578], %select_n3A_556 {strides = array<i32>} : memref<50x128xf32, #tpu.memory_space<vmem>>, vector<16xf32>,
        }
        %scan3A_106 = arith.constant 100 : i32
        %ge3A = arith.constant 1 : i32
        %ge3A_107 = arith.cmpi sge, %while3A_79, %ge3A : i32
        %convert_element_type3A_108 = arith.extui %ge3A_107 : i1 to i32
        %cond3A_109 = arith.constant 0 : i32
        %cond3A_110 = arith.cmpi ne, %convert_element_type3A_108, %cond3A_109 : i32
        scf.if %cond3A_110 {
          %scan3A_117 = arith.constant 0 : i32
          %scan3A_118 = arith.constant 0 : i32
          %scan3A_119 = arith.constant 25 : i32
          %scan3A_120 = arith.addi %scan3A_118, %scan3A_119 : i32
          %scan3A_121 = arith.constant 1 : i32
          scf.for %scan3A_123 = %scan3A_118 to %scan3A_120 step %scan3A_121  : i32 {
            %sub3A_124 = arith.constant 1 : i32
            %sub3A_125 = arith.subi %sub3A_124, %and3A_81 : i32
            %mul3A_126 = arith.constant 25 : i32
            %mul3A_127 = arith.muli %sub3A_125, %mul3A_126 : i32
            %add3A_128 = arith.addi %mul3A_127, %scan3A_123 : i32
            %add3A_129 = arith.addi %mul3A_127, %scan3A_123 : i32
            %dma_wait3A_130 = arith.constant 0 : i32
            %dma_wait3A_131 = tpu.memref_slice %arg7[%add3A_128, %dma_wait3A_130] : memref<50x128xf32, #tpu.memory_space<vmem>> -> memref<1x128xf32, #tpu.memory_space<vmem>>
            %dma_wait3A_132 = tpu.memref_squeeze %dma_wait3A_131 : memref<1x128xf32, #tpu.memory_space<vmem>> -> memref<128xf32, #tpu.memory_space<vmem>>
            %dma_wait3A_133 = arith.constant 0 : i32
            %dma_wait3A_134 = tpu.memref_slice %arg6[%add3A_129, %dma_wait3A_133] : memref<50x128xi32, #tpu.memory_space<vmem>> -> memref<1x128xi32, #tpu.memory_space<vmem>>
            %dma_wait3A_135 = tpu.memref_squeeze %dma_wait3A_134 : memref<1x128xi32, #tpu.memory_space<vmem>> -> memref<128xi32, #tpu.memory_space<vmem>>
            %dma_wait3A_136 = arith.constant 0 : i32
            %dma_wait3A_137 = tpu.memref_slice %arg10[%dma_wait3A_136] : memref<1536000xf32, #tpu.memory_space<vmem_shared>> -> memref<1536000xf32, #tpu.memory_space<vmem_shared>>
            tpu.wait_indirect_dma semaphore(%arg12 : memref<!tpu.dma_semaphore, #tpu.memory_space<semaphore_mem>>) src(%dma_wait3A_132 : memref<128xf32, #tpu.memory_space<vmem>>) dst(%dma_wait3A_137 : memref<1536000xf32, #tpu.memory_space<vmem_shared>>)
          }
          %scan3A_122 = arith.constant 25 : i32
        } else {
        }
        %scan3A_111 = arith.constant 0 : i32
        %scan3A_112 = arith.constant 0 : i32
        %scan3A_113 = arith.constant 25 : i32
        %scan3A_114 = arith.addi %scan3A_112, %scan3A_113 : i32
        %scan3A_115 = arith.constant 1 : i32
        scf.for %scan3A_117 = %scan3A_112 to %scan3A_114 step %scan3A_115  : i32 {
          %add3A_118 = arith.addi %mul3A_85, %scan3A_117 : i32
          %add3A_119 = arith.addi %mul3A_85, %scan3A_117 : i32
          %dma_start3A_120 = arith.constant 0 : i32
          %dma_start3A_121 = tpu.memref_slice %arg7[%add3A_118, %dma_start3A_120] : memref<50x128xf32, #tpu.memory_space<vmem>> -> memref<1x128xf32, #tpu.memory_space<vmem>>
          %dma_start3A_122 = tpu.memref_squeeze %dma_start3A_121 : memref<1x128xf32, #tpu.memory_space<vmem>> -> memref<128xf32, #tpu.memory_space<vmem>>
          %dma_start3A_123 = arith.constant 0 : i32
          %dma_start3A_124 = tpu.memref_slice %arg6[%add3A_119, %dma_start3A_123] : memref<50x128xi32, #tpu.memory_space<vmem>> -> memref<1x128xi32, #tpu.memory_space<vmem>>
          %dma_start3A_125 = tpu.memref_squeeze %dma_start3A_124 : memref<1x128xi32, #tpu.memory_space<vmem>> -> memref<128xi32, #tpu.memory_space<vmem>>
          %dma_start3A_126 = arith.constant 0 : i32
          %dma_start3A_127 = tpu.memref_slice %arg10[%dma_start3A_126] : memref<1536000xf32, #tpu.memory_space<vmem_shared>> -> memref<1536000xf32, #tpu.memory_space<vmem_shared>>
          tpu.enqueue_indirect_dma source(%dma_start3A_122 : memref<128xf32, #tpu.memory_space<vmem>>) target(%dma_start3A_127 : memref<1536000xf32, #tpu.memory_space<vmem_shared>>) offsets(%dma_start3A_125 : memref<128xi32, #tpu.memory_space<vmem>>) semaphore(%arg12 : memref<!tpu.dma_semaphore, #tpu.memory_space<semaphore_mem>>) {add = true}
        }
        %scan3A_116 = arith.constant 25 : i32
      }
      %sub3A_62 = arith.constant 1 : i32
      %sub3A_63 = arith.subi %select_n3A_41, %sub3A_62 : i32
      %and3A = arith.constant 1 : i32
      %and3A_64 = arith.andi %sub3A_63, %and3A : i32
      %mul3A_65 = arith.constant 25 : i32
      %mul3A_66 = arith.muli %and3A_64, %mul3A_65 : i32
      %scan3A_67 = arith.constant 0 : i32
      %scan3A_68 = arith.constant 0 : i32
      %scan3A_69 = arith.constant 25 : i32
      %scan3A_70 = arith.addi %scan3A_68, %scan3A_69 : i32
      %scan3A_71 = arith.constant 1 : i32
      scf.for %scan3A_79 = %scan3A_68 to %scan3A_70 step %scan3A_71  : i32 {
        %add3A_80 = arith.addi %mul3A_66, %scan3A_79 : i32
        %add3A_81 = arith.addi %mul3A_66, %scan3A_79 : i32
        %dma_wait3A = arith.constant 0 : i32
        %dma_wait3A_82 = tpu.memref_slice %arg7[%add3A_80, %dma_wait3A] : memref<50x128xf32, #tpu.memory_space<vmem>> -> memref<1x128xf32, #tpu.memory_space<vmem>>
        %dma_wait3A_83 = tpu.memref_squeeze %dma_wait3A_82 : memref<1x128xf32, #tpu.memory_space<vmem>> -> memref<128xf32, #tpu.memory_space<vmem>>
        %dma_wait3A_84 = arith.constant 0 : i32
        %dma_wait3A_85 = tpu.memref_slice %arg6[%add3A_81, %dma_wait3A_84] : memref<50x128xi32, #tpu.memory_space<vmem>> -> memref<1x128xi32, #tpu.memory_space<vmem>>
        %dma_wait3A_86 = tpu.memref_squeeze %dma_wait3A_85 : memref<1x128xi32, #tpu.memory_space<vmem>> -> memref<128xi32, #tpu.memory_space<vmem>>
        %dma_wait3A_87 = arith.constant 0 : i32
        %dma_wait3A_88 = tpu.memref_slice %arg10[%dma_wait3A_87] : memref<1536000xf32, #tpu.memory_space<vmem_shared>> -> memref<1536000xf32, #tpu.memory_space<vmem_shared>>
        tpu.wait_indirect_dma semaphore(%arg12 : memref<!tpu.dma_semaphore, #tpu.memory_space<semaphore_mem>>) src(%dma_wait3A_83 : memref<128xf32, #tpu.memory_space<vmem>>) dst(%dma_wait3A_88 : memref<1536000xf32, #tpu.memory_space<vmem_shared>>)
      }
      %scan3A_72 = arith.constant 25 : i32
      %barrier3A_73 = arith.constant 0 : index
      tpu.barrier barrier_id(%barrier3A_73)
      %mul3A_74 = arith.constant 96000 : i32
      %mul3A_75 = arith.muli %arg1, %mul3A_74 : i32
      %mul3A_76 = arith.constant 96000 : i32
      %mul3A_77 = arith.muli %arg1, %mul3A_76 : i32
      "tpu.region"() ({
        %run_scoped3A = tpu.sem_alloc : memref<!tpu.dma_semaphore, #tpu.memory_space<semaphore_mem>>
        %dma_start3A_79 = tpu.memref_slice %arg4[%add3A, %mul3A_77] : memref<8x1536000xf32, #tpu.memory_space<hbm>> -> memref<1x96000xf32, #tpu.memory_space<hbm>>
        %dma_start3A_80 = tpu.memref_squeeze %dma_start3A_79 : memref<1x96000xf32, #tpu.memory_space<hbm>> -> memref<96000xf32, #tpu.memory_space<hbm>>
        %dma_start3A_81 = tpu.memref_slice %arg10[%mul3A_75] : memref<1536000xf32, #tpu.memory_space<vmem_shared>> -> memref<96000xf32, #tpu.memory_space<vmem_shared>>
        tpu.enqueue_dma source(%dma_start3A_81 : memref<96000xf32, #tpu.memory_space<vmem_shared>>) target(%dma_start3A_80 : memref<96000xf32, #tpu.memory_space<hbm>>) target_semaphore(%run_scoped3A : memref<!tpu.dma_semaphore, #tpu.memory_space<semaphore_mem>>)
        %dma_wait3A = tpu.memref_slice %arg4[%add3A, %mul3A_77] : memref<8x1536000xf32, #tpu.memory_space<hbm>> -> memref<1x96000xf32, #tpu.memory_space<hbm>>
        %dma_wait3A_82 = tpu.memref_squeeze %dma_wait3A : memref<1x96000xf32, #tpu.memory_space<hbm>> -> memref<96000xf32, #tpu.memory_space<hbm>>
        %dma_wait3A_83 = tpu.memref_slice %arg10[%mul3A_75] : memref<1536000xf32, #tpu.memory_space<vmem_shared>> -> memref<96000xf32, #tpu.memory_space<vmem_shared>>
        tpu.wait_dma2 semaphore(%run_scoped3A : memref<!tpu.dma_semaphore, #tpu.memory_space<semaphore_mem>>) src(%dma_wait3A_83 : memref<96000xf32, #tpu.memory_space<vmem_shared>>) dst(%dma_wait3A_82 : memref<96000xf32, #tpu.memory_space<hbm>>)
        tpu.yield
      }) : () -> ()
      %barrier3A_78 = arith.constant 0 : index
      tpu.barrier barrier_id(%barrier3A_78)
    }
    %scan3A_10 = arith.constant 4 : i32
    return
  }
}

</mosaic_0001>

<sc_bundles>
// kernel: _run.3.cloned.1.call-start
scs
__scs_entry_jumppad:
0x0: {  	(pc) =	sbr.rel $0x88, $3  }
0x1: {  	(tag) =	ssettag $0x0;
	lr =	simm.s32 $0x1  }
0x2: {  	[smem:$0x3FA0] =	sst lr;
	_ =	strace $0xD0000000  }
0x3: {  	_ = 	snop  }
0x4: {  	_ = 	snop  }
0x5: {  	_ = 	snop  }
0x6: {  	_ = 	snop  }
0x7: {  	_ = 	snop  }
__scs_overlays_trampoline_lowered:
0x8: {  	[smem:$0x3FAF] =	sst s0  }
0x9: {  	[smem:$0x3FB0] =	sst s1  }
0xa: {  	[smem:$0x3FB1] =	sst s2  }
0xb: {  	[smem:$0x3FB2] =	sst s3  }
0xc: {  	[smem:$0x3FB3] =	sst s4  }
0xd: {  	[smem:$0x3FB4] =	sst s5  }
0xe: {  	[smem:$0x3FB5] =	sst s6  }
0xf: {  	[smem:$0x3FB6] =	sst s7  }
0x10: {  	[smem:$0x3FB7] =	sst s8  }
0x11: {  	[smem:$0x3FB8] =	sst s9;
	s0 =	simm.s32 @!p0 $0x0  }
0x12: {  	s1 =	sld [smem:$0x3F9E];
	s0 =	simm.s32 @p0 $0x1  }
0x13: {  	[smem:$0x3FB9] =	sst s0;
	s0 =	simm.s32 @!p1 $0x0  }
0x14: {  	s2 =	sld [smem:$0x3F9D];
	s0 =	simm.s32 @p1 $0x1  }
0x15: {  	[smem:$0x3FBA] =	sst s0;
	s0 =	simm.s32 @!p2 $0x0  }
0x16: {  	s3 =	sld [smem:$0x3FDB];
	s0 =	simm.s32 @p2 $0x1  }
0x17: {  	s4 =	simm.s32 $0x1BF5;
	[smem:$0x3FBC] =	sst s0  }
0x18: {  	s0 =	sld [smem:$0x3F9F];
	_ =	swait.ge [sflag:s4], $0x0  }
0x19: {  	s7 =	sld [smem:$0x3FA0]  }
0x1a: {  	s8 =	sadd.s32 $0xFFFFE003, lr  }
0x1b: {  	s9 =	sadd.s32 $0xFFFFFEF7, lr;
	s5 =	simm.s32 $0xFFFFFFFF;
	p2 =	slt.u32 s8, $0xFFFFF086  }
0x1c: {  	p1 =	slt.u32 s9, $0xF7A;
	s5 =	simm.s32 @!p2 $0x0  }
0x1d: {  	s5 =	simm.s32 @p1 $0x1;
	p0 =	seq.s32 s7, s2  }
0x1e: {  	s7 =	smul.u32 @!p0 $0xF7A, s2;
	p2 =	seq.s32 @!p0 s5, $0x0  }
0x1f: {  	s9 =	smul.u32 $0xF7A, s1;
	s8 =	simm.s32 @!p0 $0x1BF5;
	p2 =	por !p2, p0  }
0x20: {  	[sflag:s8] =	ssyncset.s32 @!p0 $0xFFFFF086;
	s6 =	sadd.s32 @!p0 s3, s7;
	s7 =	simm.s32 @!p0 $0x108  }
0x21: {  	s3 =	sadd.s32 s3, s9;
	s6 =	sadd.s32 @!p0 $0x88, s6;
	s7 =	simm.s32 @p2 $0x1082  }
0x22: {  	[simem:s7], [sflag:s8] =	dma.local @!p0 [hbm:s6], $0xF7A  }
0x23: {  	s9 =	sor.u32 $0xD0000000, s2;
	s6 =	simm.s32 $0x108;
	_ =	swait.ge @!p0 [sflag:s8], $0x0  }
0x24: {  	s3 =	sadd.s32 $0x88, s3;
	s6 =	simm.s32 @!p1 $0x1082;
	[sflag:s4] =	ssyncset.s32 $0xFFFFF086  }
0x25: {  	[simem:s6], [sflag:s4] =	dma.local [hbm:s3], $0xF7A  }
0x26: {  	[smem:$0x3FA0] =	sst s1;
	(tag) =	ssettag s2;
	_ =	strace s9  }
0x27: {  	s1 =	sld [smem:$0x3FB0]  }
0x28: {  	s2 =	sld [smem:$0x3FB1]  }
0x29: {  	s4 =	sld [smem:$0x3FB3]  }
0x2a: {  	p0 =	seq.s32 s5, $0x0;
	s5 =	sld [smem:$0x3FB4]  }
0x2b: {  	s6 =	sld [smem:$0x3FB5]  }
0x2c: {  	s7 =	sld [smem:$0x3FB6]  }
0x2d: {  	s3 =	simm.s32 $0x108;
	s8 =	sld [smem:$0x3FB7]  }
0x2e: {  	s3 =	simm.s32 @!p0 $0x1082;
	s9 =	sld [smem:$0x3FB8]  }
0x2f: {  	lr =	sadd.s32 s0, s3;
	s0 =	sld [smem:$0x3FAF]  }
0x30: {  	s3 =	sld [smem:$0x3FB2]  }
0x31: {  	[smem:$0x3FBB] =	sst s10  }
0x32: {  	s10 =	sld [smem:$0x3FB9];
	_ =	sdelay $0x3  }
0x33: {  	p0 =	seq.s32 s10, $0x1;
	s10 =	sld [smem:$0x3FBB];
	_ =	sdelay $0x3  }
0x34: {  	[smem:$0x3FBB] =	sst s10  }
0x35: {  	s10 =	sld [smem:$0x3FBA];
	_ =	sdelay $0x3  }
0x36: {  	p1 =	seq.s32 s10, $0x1;
	s10 =	sld [smem:$0x3FBB];
	_ =	sdelay $0x3  }
0x37: {  	[smem:$0x3FBB] =	sst s10  }
0x38: {  	s10 =	sld [smem:$0x3FBC]  }
0x39: {  	_ = 	snop;
	(pc) =	sbr.ind lr, $3  }
0x3a: {  	_ = 	snop  }
0x3b: {  	_ = 	snop  }
0x3c: {  	p2 =	seq.s32 s10, $0x1;
	s10 =	sld [smem:$0x3FBB]  }
0x3d: {  	_ =	shalt  }
0x3e: {  	_ =	shalt  }
0x3f: {  	_ =	shalt  }
0x40: {  	_ =	shalt  }
0x41: {  	_ =	shalt  }
0x42: {  	_ =	shalt  }
0x43: {  	_ =	shalt  }
0x44: {  	_ =	shalt  }
0x45: {  	_ =	shalt  }
0x46: {  	_ =	shalt  }
0x47: {  	_ =	shalt  }
0x48: {  	_ =	shalt  }
0x49: {  	_ =	shalt  }
0x4a: {  	_ =	shalt  }
0x4b: {  	_ =	shalt  }
0x4c: {  	_ =	shalt  }
0x4d: {  	_ =	shalt  }
0x4e: {  	_ =	shalt  }
0x4f: {  	_ =	shalt  }
0x50: {  	_ =	shalt  }
0x51: {  	_ =	shalt  }
0x52: {  	_ =	shalt  }
0x53: {  	_ =	shalt  }
0x54: {  	_ =	shalt  }
0x55: {  	_ =	shalt  }
0x56: {  	_ =	shalt  }
0x57: {  	_ =	shalt  }
0x58: {  	_ =	shalt  }
0x59: {  	_ =	shalt  }
0x5a: {  	_ =	shalt  }
0x5b: {  	_ =	shalt  }
0x5c: {  	_ =	shalt  }
0x5d: {  	_ =	shalt  }
0x5e: {  	_ =	shalt  }
0x5f: {  	_ =	shalt  }
0x60: {  	_ =	shalt  }
0x61: {  	_ =	shalt  }
0x62: {  	_ =	shalt  }
0x63: {  	_ =	shalt  }
0x64: {  	_ =	shalt  }
0x65: {  	_ =	shalt  }
0x66: {  	_ =	shalt  }
0x67: {  	_ =	shalt  }
0x68: {  	_ =	shalt  }
0x69: {  	_ =	shalt  }
0x6a: {  	_ =	shalt  }
0x6b: {  	_ =	shalt  }
0x6c: {  	_ =	shalt  }
0x6d: {  	_ =	shalt  }
0x6e: {  	_ =	shalt  }
0x6f: {  	_ =	shalt  }
0x70: {  	_ =	shalt  }
0x71: {  	_ =	shalt  }
0x72: {  	_ =	shalt  }
0x73: {  	_ =	shalt  }
0x74: {  	_ =	shalt  }
0x75: {  	_ =	shalt  }
0x76: {  	_ =	shalt  }
0x77: {  	_ =	shalt  }
0x78: {  	_ =	shalt  }
0x79: {  	_ =	shalt  }
0x7a: {  	_ =	shalt  }
0x7b: {  	_ =	shalt  }
0x7c: {  	_ =	shalt  }
0x7d: {  	_ =	shalt  }
0x7e: {  	_ =	shalt  }
0x7f: {  	_ =	shalt  }
0x80: {  	_ =	shalt  }
0x81: {  	_ =	shalt  }
0x82: {  	_ =	shalt  }
0x83: {  	_ =	shalt  }
0x84: {  	_ =	shalt  }
0x85: {  	_ =	shalt  }
0x86: {  	_ =	shalt  }
0x87: {  	_ =	shalt  }
.Lfunc_end0:
.L_simem_size_0:
called_computation.1_lowered:
.L_overlay_start_0:
0x88: {  	s2 =	sld [smem:$0x3FD9]  }
0x89: {  	s3 =	sld [smem:$0x3FFE];
	_ =	sdelay $0x1  }
0x8a: {  	s1 =	srdreg.scid  }
0x8b: {  	s0 =	sand.u32 $0x1, s1  }
0x8c: {  	s17 =	sshll.u32 s0, $0xA;
	s2 =	sadd.s32 s3, s2  }
0x8d: {  	s2 =	sadd.s32 s2, s17  }
0x8e: {  	[smem:$0x3FC7] =	sst s2  }
0x8f: {  	_ = 	snop  }
0x90: {  	s2 =	sld [smem:$0x3FD0];
	(tm) =	ssettm $0x1  }
0x91: {  	s18 =	sld [smem:$0x3FFB];
	_ =	sdelay $0x3  }
0x92: {  	_ =	strace s18  }
0x93: {  	s3 =	sld [smem:$0x3FFC];
	_ =	sdelay $0x3  }
0x94: {  	_ =	strace s3  }
0x95: {  	s3 =	sld [smem:$0x3FFD];
	_ =	sdelay $0x3  }
0x96: {  	_ =	strace s3  }
0x97: {  	_ =	strace $0x8FFFFFFF  }
0x98: {  	s19 =	sld [smem:$0x3FDB];
	_ =	sdelay $0x1  }
0x99: {  	s4 =	simm.s32 $_scs_section_size  }
0x9a: {  	s5 =	simm.s32 $_size__tile_overlayer_lowered;
	s6 =	simm.s32 $_tile_overlayer_lowered  }
0x9b: {  	s22 =	simm.s32 $0x1BFF;
	s21 =	sshll.u32 s6, $0x1;
	s3 =	sadd.s32 s4, s19  }
0x9c: {  	s7 =	simm.s32 $0x0;
	s20 =	sshll.u32 s5, $0x1;
	s5 =	sadd.s32 s21, s3  }
0x9d: {  	[timem:s7], [sflag:s22] =	dma.local [hbm:s5], s20  }
0x9e: {  	_ =	swait.ge [sflag:s22], s20  }
0x9f: {  	s4 =	ssub.s32 $0x0, s20;
	[sflag:s22] =	ssyncset.done $0x0  }
0xa0: {  	[sflag:s22] =	ssyncadd.s32 s4;
	_ =	sdelay $0x1  }
0xa1: {  	s23 =	simm.s32 $0x1B8B  }
0xa2: {  	_ =	swait.ge [sflag:s23], $0x1  }
0xa3: {  	[sflag:s23] =	ssyncset.done $0x0  }
0xa4: {  	s25 =	simm.s32 $0x1B8E;
	s24 =	sld [smem:$0x3FFE];
	[sflag:s23] =	ssyncadd.s32 $0xFFFFFFFF  }
0xa5: {  	s26 =	simm.s32 $execute0_lowered;
	[smem:$0x3FD2] =	sst s25  }
0xa6: {  	s5 =	sshll.u32 s26, $0x1;
	_ =	strace $0x80000046;
	[dreg:$0x1] =	wrdreg $0xFFFFFFFF  }
0xa7: {  	s28 =	simm.s32 $_size_execute0_lowered;
	s3 =	sadd.s32 s3, s5;
	[dreg:$0x0] =	wrdreg $0x0  }
0xa8: {  	s5 =	sshll.u32 s28, $0x1;
	[dreg:$0x2] =	wrdreg s3  }
0xa9: {  	[dreg:$0x3] =	wrdreg s5  }
0xaa: {  	[dreg:$0x4] =	wrdreg $0xC0  }
0xab: {  	_ =	task [dreg:s7], $0x5FFFF  }
0xac: {  	[dreg:$0x1] =	wrdreg $0xFFFFFFFF  }
0xad: {  	[dreg:$0x0] =	wrdreg $0x60  }
0xae: {  	[dreg:$0x2] =	wrdreg s24  }
0xaf: {  	[dreg:$0x3] =	wrdreg s2  }
0xb0: {  	[dreg:$0x4] =	wrdreg $0x82000  }
0xb1: {  	[dreg:$0x5] =	wrdreg $0x9  }
0xb2: {  	_ =	task.clear_ibuf [dreg:s7], $0x6FFFF;
	_ =	strace $0x90000046  }
0xb3: {  	s29 =	simm.s32 $0x9;
	_ =	strace $0x80000048  }
0xb4: {  	_ =	swait.ge [sflag:s29], $0x1  }
0xb5: {  	[sflag:s29] =	ssyncadd.s32 $0xFFFFFFFF  }
0xb6: {  	_ =	strace $0x90000048  }
0xb7: {  	_ =	sfence  }
0xb8: {  	s30 =	sld [smem:$0x0];
	_ =	sdelay $0x2  }
0xb9: {  	s31 =	sshll.u32 s1, $0xD;
	s1 =	sshrl.u32 s1, $0x2  }
0xba: {  	s3 =	sand.u32 $0x4000, s31;
	s1 =	sadd.s32 s1, s30  }
0xbb: {  	s0 =	sor.u32 s3, s0;
	s1 =	sshll.u32 s1, $0x11  }
0xbc: {  	s0 =	sor.u32 s1, s0  }
0xbd: {  	s0 =	sadd.s32 $0x8F2B, s0  }
0xbe: {  	[sflag:s0] =	ssyncadd.remote.s32 $0x1  }
0xbf: {  	_ =	sfence.sel $0xFFFF  }
0xc0: {  	[dreg:$0x0] =	wrdreg $0xFFFFFFFF;
	(pc) =	sbr.abs _section_cstart, $3  }
0xc1: {  	[dreg:$0x1] =	wrdreg $0xFFFFFFFF  }
0xc2: {  	_ =	task.clear_ibuf [dreg:s7], $0x2FFFF;
	_ =	strace $0x9FFFFFFF  }
0xc3: {  	(tm) =	ssettm $0x7FFFFFFF  }
tec
execute0_lowered:
.L_overlay_start_1:
0x0: {  	(tag) =	ssettag $0x1  }
0x1: {  	s0 =	rddreg [dreg:$0x0]  }
0x2: {  	s2 =	rddreg [dreg:$0x2];
	s4 =	simm.s32 $0x0  }
0x3: {  	s1 =	srdreg.scid;
	s3 =	stileid.u32;
	s9 =	simm.s32 $0x28  }
0x4: {  	s29 =	simm.s32 $0x8180;
	s30 =	simm.s32 $0x3;
	[smem:$0x7FF] =	sst s4  }
0x5: {  	s1 =	sand.u32 $0x1, s1;
	s6 =	smul.u32 $0x5DC00, s3;
	s5 =	sadd.s32 $0x3D09600, s0  }
0x6: {  	s0 =	sadd.s32 $0x400, s0;
	s18 =	smul.u32 $0xC800, s3;
	_ =	strace $0x80000047  }
0x7: {  	s7 =	ssub.s32 $0x2, s1;
	[dreg:$0x4] =	wrdreg s0;
	s1 =	sshll.u32 s1, $0x2  }
0x8: {  	s19 =	smul.u32 $0xBB800, s3;
	s17 =	sshrl.u32 s7, $0x1;
	[dreg:$0x5] =	wrdreg s1  }
0x9: {  	s6 =	sshrl.u32 s6, $0x2;
	[dreg:$0x6] =	wrdreg s18;
	s0 =	ssub.s32 s7, s17  }
0xa: {  	[dreg:$0x7] =	wrdreg s19;
	s8 =	sadd.s32 s6, s2;
	s0 =	smax.u32 s0, $0x1  }
0xb: {  	s31 =	simm.s32 $0x6A00;
	s20 =	sadd.s32 $0x1770, s8;
	[dreg:$0x8] =	wrdreg s0  }
0xc: {  	s12 =	simm.s32 $0x1;
	s21 =	sadd.s32 $0x2EE0, s8;
	[dreg:$0x9] =	wrdreg s20  }
0xd: {  	p0 =	seq.s32 s3, $0x0;
	s22 =	sadd.s32 $0x4650, s8;
	[dreg:$0xa] =	wrdreg s21  }
0xe: {  	s9 =	simm.s32 @!p0 $0x27;
	s23 =	sadd.s32 $0x5DC0, s8;
	[dreg:$0xb] =	wrdreg s22  }
0xf: {  	s1 =	simm.s32 $0x2;
	s24 =	sadd.s32 $0x7530, s8;
	[dreg:$0xc] =	wrdreg s23  }
0x10: {  	v0 =	vlaneseq.u32;
	s7 =	simm.s32 $0x0;
	s25 =	sadd.s32 $0x8CA0, s8;
	[dreg:$0xd] =	wrdreg s24  }
0x11: {  	v0 =	vmul.u32 $0x4, v0;
	s26 =	sadd.s32 $0xA410, s8;
	s28 =	sadd.s32 $0x15F90, s8;
	[dreg:$0xe] =	wrdreg s25  }
0x12: {  	v1 =	vimm.f32 $0.0e+00;
	v5 =	vimm.s32 $0x0;
	[dreg:$0xf] =	wrdreg s26;
	s20 =	sadd.s32 $0xBB80, s8;
	s21 =	sadd.s32 $0xD2F0, s8  }
0x13: {  	v2 =	vor.u32 $0x1, v0;
	v3 =	vor.u32 $0x2, v0;
	v4 =	vor.u32 $0x3, v0;
	s22 =	sadd.s32 $0xEA60, s8;
	s23 =	sadd.s32 $0x101D0, s8;
	s24 =	sadd.s32 $0x11940, s8  }
0x14: {  	v6 =	vor.u32 $0x41, v0;
	v7 =	vor.u32 $0x42, v0;
	v8 =	vor.u32 $0x43, v0;
	s25 =	sadd.s32 $0x130B0, s8;
	s26 =	sadd.s32 $0x14820, s8;
	s0 =	simm.s32 $0x80  }
.LBB2_1:
0x15: {  	[dreg:$0x10] =	wrdreg s7;
	s6 =	simm.s32 $0x40;
	s7 =	simm.s32 $0x0  }
.LBB2_2:
0x16: {  	p0 =	sne.s32 s6, $0x5D80;
	[tilespmem:s7+$0x6A00] =	vst v1;
	s7 =	smov.u32 s6;
	s6 =	sadd.s32 $0x40, s6  }
.Ltmp0:
0x17: {  	(pc) =	sbr.rel @p0 .LBB2_2-.Ltmp0, $2  }
0x18: {  	_ =	sdelay $0x2  }
0x19: {  	s7 =	sshra.s32 s7, $0x2  }
0x1a: {  	[tilespmem:s7+$0x6A00] =	vst v1;
	s19 =	simm.s32 $0x0;
	s6 =	rddreg [dreg:$0x1]  }
0x1b: {  	[tilespmem:s29], [sflag:$0x3] =	stream.linear.gather [hbm4b:s6+s19], $0x80, $0x38;
	[tilespmem:$0x1F900] =	vst v63  }
0x1c: {  	_ =	swait.ge [sflag:s30], $0x80  }
0x1d: {  	[sflag:s30] =	ssyncset.done $0x0  }
0x1e: {  	s6 =	simm.s32 $0x0;
	[sflag:s30] =	ssyncadd.s32 $0xFFFFFF80  }
.LBB2_4:
0x1f: {  	[spmem:s8] =	stream.linear.scatter [tilespmem:s31], [sflag:$0x3], $0x1770, $0x38;
	[tilespmem:$0x1F900] =	vst v63  }
0x20: {  	_ =	swait.ge [sflag:s30], $0x1770  }
0x21: {  	[sflag:s30] =	ssyncset.done $0x0  }
0x22: {  	s7 =	rddreg [dreg:$0x9];
	[sflag:s30] =	ssyncadd.s32 $0xFFFFE890  }
0x23: {  	[spmem:s7] =	stream.linear.scatter [tilespmem:s31], [sflag:$0x3], $0x1770, $0x38;
	[tilespmem:$0x1F900] =	vst v63  }
0x24: {  	_ =	swait.ge [sflag:s30], $0x1770  }
0x25: {  	[sflag:s30] =	ssyncset.done $0x0  }
0x26: {  	s11 =	rddreg [dreg:$0xa];
	[sflag:s30] =	ssyncadd.s32 $0xFFFFE890  }
0x27: {  	[spmem:s11] =	stream.linear.scatter [tilespmem:s31], [sflag:$0x3], $0x1770, $0x38;
	[tilespmem:$0x1F900] =	vst v63  }
0x28: {  	_ =	swait.ge [sflag:s30], $0x1770  }
0x29: {  	[sflag:s30] =	ssyncset.done $0x0  }
0x2a: {  	s13 =	rddreg [dreg:$0xb];
	[sflag:s30] =	ssyncadd.s32 $0xFFFFE890  }
0x2b: {  	[spmem:s13] =	stream.linear.scatter [tilespmem:s31], [sflag:$0x3], $0x1770, $0x38;
	[tilespmem:$0x1F900] =	vst v63  }
0x2c: {  	_ =	swait.ge [sflag:s30], $0x1770  }
0x2d: {  	[sflag:s30] =	ssyncset.done $0x0  }
0x2e: {  	s14 =	rddreg [dreg:$0xc];
	[sflag:s30] =	ssyncadd.s32 $0xFFFFE890  }
0x2f: {  	[spmem:s14] =	stream.linear.scatter [tilespmem:s31], [sflag:$0x3], $0x1770, $0x38;
	[tilespmem:$0x1F900] =	vst v63  }
0x30: {  	_ =	swait.ge [sflag:s30], $0x1770  }
0x31: {  	[sflag:s30] =	ssyncset.done $0x0  }
0x32: {  	s15 =	rddreg [dreg:$0xd];
	[sflag:s30] =	ssyncadd.s32 $0xFFFFE890  }
0x33: {  	[spmem:s15] =	stream.linear.scatter [tilespmem:s31], [sflag:$0x3], $0x1770, $0x38;
	[tilespmem:$0x1F900] =	vst v63  }
0x34: {  	_ =	swait.ge [sflag:s30], $0x1770  }
0x35: {  	[sflag:s30] =	ssyncset.done $0x0  }
0x36: {  	s16 =	rddreg [dreg:$0xe];
	[sflag:s30] =	ssyncadd.s32 $0xFFFFE890  }
0x37: {  	[spmem:s16] =	stream.linear.scatter [tilespmem:s31], [sflag:$0x3], $0x1770, $0x38;
	[tilespmem:$0x1F900] =	vst v63  }
0x38: {  	_ =	swait.ge [sflag:s30], $0x1770  }
0x39: {  	[sflag:s30] =	ssyncset.done $0x0  }
0x3a: {  	s17 =	rddreg [dreg:$0xf];
	[sflag:s30] =	ssyncadd.s32 $0xFFFFE890  }
0x3b: {  	[spmem:s17] =	stream.linear.scatter [tilespmem:s31], [sflag:$0x3], $0x1770, $0x38;
	[tilespmem:$0x1F900] =	vst v63  }
0x3c: {  	_ =	swait.ge [sflag:s30], $0x1770  }
0x3d: {  	[sflag:s30] =	ssyncset.done $0x0  }
0x3e: {  	[sflag:s30] =	ssyncadd.s32 $0xFFFFE890  }
0x3f: {  	[spmem:s20] =	stream.linear.scatter [tilespmem:s31], [sflag:$0x3], $0x1770, $0x38;
	[tilespmem:$0x1F900] =	vst v63  }
0x40: {  	_ =	swait.ge [sflag:s30], $0x1770  }
0x41: {  	[sflag:s30] =	ssyncset.done $0x0  }
0x42: {  	[sflag:s30] =	ssyncadd.s32 $0xFFFFE890  }
0x43: {  	[spmem:s21] =	stream.linear.scatter [tilespmem:s31], [sflag:$0x3], $0x1770, $0x38;
	[tilespmem:$0x1F900] =	vst v63  }
0x44: {  	_ =	swait.ge [sflag:s30], $0x1770  }
0x45: {  	[sflag:s30] =	ssyncset.done $0x0  }
0x46: {  	[sflag:s30] =	ssyncadd.s32 $0xFFFFE890  }
0x47: {  	[spmem:s22] =	stream.linear.scatter [tilespmem:s31], [sflag:$0x3], $0x1770, $0x38;
	[tilespmem:$0x1F900] =	vst v63  }
0x48: {  	_ =	swait.ge [sflag:s30], $0x1770  }
0x49: {  	[sflag:s30] =	ssyncset.done $0x0  }
0x4a: {  	[sflag:s30] =	ssyncadd.s32 $0xFFFFE890  }
0x4b: {  	[spmem:s23] =	stream.linear.scatter [tilespmem:s31], [sflag:$0x3], $0x1770, $0x38;
	[tilespmem:$0x1F900] =	vst v63  }
0x4c: {  	_ =	swait.ge [sflag:s30], $0x1770  }
0x4d: {  	[sflag:s30] =	ssyncset.done $0x0  }
0x4e: {  	[sflag:s30] =	ssyncadd.s32 $0xFFFFE890  }
0x4f: {  	[spmem:s24] =	stream.linear.scatter [tilespmem:s31], [sflag:$0x3], $0x1770, $0x38;
	[tilespmem:$0x1F900] =	vst v63  }
0x50: {  	_ =	swait.ge [sflag:s30], $0x1770  }
0x51: {  	[sflag:s30] =	ssyncset.done $0x0  }
0x52: {  	[sflag:s30] =	ssyncadd.s32 $0xFFFFE890  }
0x53: {  	[spmem:s25] =	stream.linear.scatter [tilespmem:s31], [sflag:$0x3], $0x1770, $0x38;
	[tilespmem:$0x1F900] =	vst v63  }
0x54: {  	_ =	swait.ge [sflag:s30], $0x1770  }
0x55: {  	[sflag:s30] =	ssyncset.done $0x0  }
0x56: {  	[sflag:s30] =	ssyncadd.s32 $0xFFFFE890  }
0x57: {  	[spmem:s26] =	stream.linear.scatter [tilespmem:s31], [sflag:$0x3], $0x1770, $0x38;
	[tilespmem:$0x1F900] =	vst v63  }
0x58: {  	_ =	swait.ge [sflag:s30], $0x1770  }
0x59: {  	s18 =	rddreg [dreg:$0x5]  }
0x5a: {  	[sflag:s30] =	ssyncset.done $0x0;
	s7 =	sadd.s32 s18, s6  }
0x5b: {  	[sflag:s30] =	ssyncadd.s32 $0xFFFFE890;
	s10 =	sshll.u32 s7, $0x1  }
0x5c: {  	[spmem:s28] =	stream.linear.scatter [tilespmem:s31], [sflag:$0x3], $0x1770, $0x38;
	v9 =	vmov s10;
	[tilespmem:$0x1F900] =	vst v63  }
0x5d: {  	_ =	swait.ge [sflag:s30], $0x1770;
	v10 =	vor.u32 $0x1, v9  }
0x5e: {  	[sflag:s30] =	ssyncset.done $0x0  }
0x5f: {  	[sflag:s30] =	ssyncadd.s32 $0xFFFFE890  }
0x60: {  	[bflag:$0x0] =	sbarrier.arrive $0xFFFF  }
0x61: {  	v11 =	vld.idx.msk [tilespmem:v9+s29+$0x0], $0xffff  }
0x62: {  	v9 =	vld.idx.msk [tilespmem:v10+s29+$0x0], $0xffff;
	_ =	sdelay $0x4  }
0x63: {  	v9 =	vsub.f32 v9, v11;
	_ =	sdelay $0x1  }
0x64: {  	vm0 =	veq.f32 v9, $0.0e+00  }
0x65: {  	v9 =	vsel vm0, $0x3F800000, v9  }
0x66: {  	(erf) = vrcp.f32 v9;
	_ =	sdelay $0x4  }
0x67: {  	s7 =	sshll.u32 s7, $0x7;
	s19 =	rddreg [dreg:$0x6]  }
0x68: {  	s10 =	sadd.s32 s19, s7  }
0x69: {  	p0 =	por $0x0, $0x0;
	s11 =	simm.s32 $0x400;
	s10 =	sshrl.u32 s10, $0x3  }
0x6a: {  	s13 =	simm.s32 $0x0;
	s14 =	simm.s32 $0x0;
	s10 =	sadd.s32 s5, s10  }
0x6b: {  	[tilespmem:s13], [sflag:$0x1] =	stream.strided.gather [hbm4b:s10+s0], $0x1900, s11, s0, $0x38;
	v10 =	vmul.f32 $4.000000000e+00, v11;
	v9 =	vpop (erf);
	[tilespmem:$0x1F900] =	vst v63  }
.LBB2_5:
0x6c: {  	s10 =	smov.u32 s14;
	s14 =	sadd.s32 $0x1, s14  }
0x6d: {  	p1 =	sge.u32 s14, s9  }
0x6e: {  	s11 =	sshll.u32 @!p1 s14, $0x4  }
0x6f: {  	s15 =	simm.s32 $0x1;
	_ =	swait.ge [sflag:s12], $0x1900;
	s11 =	sor.u32 @!p1 s3, s11  }
0x70: {  	s15 =	simm.s32 @!p0 $0x0;
	s16 =	sand.u32 $0x1, s10;
	s11 =	smul.u32 @!p1 $0xC800, s11  }
0x71: {  	[sflag:s12] =	ssyncset.done $0x0;
	s13 =	smul.u32 $0x3200, s15;
	s16 =	sxor.u32 @!p1 $0x1, s16  }
0x72: {  	[sflag:s12] =	ssyncadd.s32 $0xFFFFE700;
	s16 =	smul.u32 @!p1 $0x6400, s16;
	s11 =	sadd.s32 @!p1 s7, s11  }
0x73: {  	s18 =	simm.s32 @!p1 $0x400;
	s17 =	sshrl.u32 s13, $0x2;
	s11 =	sshrl.u32 @!p1 s11, $0x3  }
0x74: {  	s13 =	sshrl.u32 @!p1 s16, $0x2;
	s16 =	simm.s32 @!p1 $0x80;
	s11 =	sadd.s32 @!p1 s5, s11  }
0x75: {  	[tilespmem:s13], [sflag:$0x1] =	stream.strided.gather @!p1 [hbm4b:s11+s16], $0x1900, s18, s16, $0x38;
	[tilespmem:$0x1F900] =	vst v63  }
0x76: {  	s15 =	smul.u32 $0x1900, s15;
	s11 =	sadd.s32 $0x4E00, s17;
	s13 =	sadd.s32 $0x3200, s17  }
0x77: {  	s16 =	sadd.s32 $0x3240, s17;
	s17 =	sadd.s32 $0x4E40, s17;
	s18 =	simm.s32 $0xFFFFFFFC  }
.LBB2_6:
0x78: {  	v11 =	vor.u32 s15, v0;
	_ =	sdelay $0x4  }
0x79: {  	v11 =	vld.idx.msk [tilespmem:v11+s4+$0x0], $0xffff  }
0x7a: {  	v12 =	vor.u32 s15, v2  }
0x7b: {  	v14 =	vor.u32 s15, v4  }
0x7c: {  	v13 =	vor.u32 s15, v3;
	_ =	sdelay $0x1  }
0x7d: {  	v11 =	vmul.f32 $4.000000000e+00, v11  }
0x7e: {  	v12 =	vld.idx.msk [tilespmem:v12+s4+$0x0], $0xffff  }
0x7f: {  	v14 =	vld.idx.msk [tilespmem:v14+s4+$0x0], $0xffff;
	v11 =	vsub.f32 v11, v10  }
0x80: {  	v13 =	vld.idx.msk [tilespmem:v13+s4+$0x0], $0xffff  }
0x81: {  	v11 =	vmul.f32 v11, v9;
	_ =	sdelay $0x1  }
0x82: {  	v15 =	vtrunc.f32 v11  }
0x83: {  	vm6 =	veq.f32 v14, $0.0e+00;
	v16 =	vcvt.f32.s32 v15;
	vm0 =	vlt.f32 v11, v15  }
0x84: {  	v12 =	vtrunc.f32 v12;
	v13 =	vtrunc.f32 v13;
	v15 =	vsel vm0, $0xFFFFFFFF, v5  }
0x85: {  	v13 =	vcvt.f32.s32 v13;
	v12 =	vcvt.f32.s32 v12;
	v15 =	vadd.s32 v16, v15  }
0x86: {  	v16 =	vcvt.s32.f32 v15;
	vm1 =	vgt.s32 v15, $0x0;
	v22 =	vadd.s32 $0x1, v15  }
0x87: {  	v13 =	vmul.u32 $0x280, v13;
	v17 =	vnsel vm1, $0x0, v15;
	vm7 =	vgt.s32 v22, $0x0  }
0x88: {  	v11 =	vsub.f32 v11, v16;
	v17 =	vmin.u32 v17, $0x4;
	v16 =	vnsel vm7, $0x0, v22  }
0x89: {  	v14 =	vsel vm6, $0xBF800000, v14;
	v16 =	vmin.u32 v16, $0x4;
	v17 =	vmul.u32 $0x4B000, v17  }
0x8a: {  	s19 =	sadd.s32 $0x40, s15;
	v12 =	vadd.s32 v12, v13;
	v18 =	vsub.f32 $1.000000000e+00, v11;
	v23 =	vmul.u32 $0x4B000, v16  }
0x8b: {  	v25 =	vor.u32 s19, v0;
	v11 =	vmul.f32 v11, v14;
	v17 =	vadd.s32 v12, v17  }
0x8c: {  	vm9 =	vlt.u32 v15, $0x4;
	v24 =	vmul.f32 v18, v14;
	v12 =	vadd.s32 v12, v23;
	[tilespmem:s16+$0xFFFFFFC0] =	vst v17  }
0x8d: {  	vm8 =	vlt.u32 v15, $0x5;
	v11 =	vnsel vm9, $0x0, v11;
	[tilespmem:s16+$0xFFFFFFD0] =	vst v12  }
0x8e: {  	v26 =	vnsel vm8, $0x0, v24;
	[tilespmem:s17+$0xFFFFFFD0] =	vst v11  }
0x8f: {  	v27 =	vmov s19;
	[tilespmem:s17+$0xFFFFFFC0] =	vst v26  }
0x90: {  	v12 =	vand.u32 $0x3F00, v27;
	v11 =	vld.idx.msk [tilespmem:v25+s4+$0x0], $0xffff  }
0x91: {  	v28 =	vor.u32 v6, v12  }
0x92: {  	v29 =	vor.u32 v7, v12;
	v12 =	vor.u32 v8, v12;
	_ =	sdelay $0x2  }
0x93: {  	v11 =	vmul.f32 $4.000000000e+00, v11  }
0x94: {  	v13 =	vld.idx.msk [tilespmem:v28+s4+$0x0], $0xffff  }
0x95: {  	v12 =	vld.idx.msk [tilespmem:v12+s4+$0x0], $0xffff;
	v11 =	vsub.f32 v11, v10  }
0x96: {  	v14 =	vld.idx.msk [tilespmem:v29+s4+$0x0], $0xffff  }
0x97: {  	v11 =	vmul.f32 v11, v9;
	_ =	sdelay $0x1  }
0x98: {  	v30 =	vtrunc.f32 v11  }
0x99: {  	vm11 =	veq.f32 v12, $0.0e+00;
	v31 =	vcvt.f32.s32 v30;
	vm10 =	vlt.f32 v11, v30  }
0x9a: {  	v13 =	vtrunc.f32 v13;
	v14 =	vtrunc.f32 v14;
	v15 =	vsel vm10, $0xFFFFFFFF, v5  }
0x9b: {  	v14 =	vcvt.f32.s32 v14;
	v13 =	vcvt.f32.s32 v13;
	v15 =	vadd.s32 v31, v15  }
0x9c: {  	v16 =	vcvt.s32.f32 v15;
	vm12 =	vgt.s32 v15, $0x0;
	v32 =	vadd.s32 $0x1, v15  }
0x9d: {  	v14 =	vmul.u32 $0x280, v14;
	v33 =	vnsel vm12, $0x0, v15;
	vm13 =	vgt.s32 v32, $0x0  }
0x9e: {  	v11 =	vsub.f32 v11, v16;
	v17 =	vmin.u32 v33, $0x4;
	v16 =	vnsel vm13, $0x0, v32  }
0x9f: {  	v12 =	vsel vm11, $0xBF800000, v12;
	v16 =	vmin.u32 v16, $0x4;
	v17 =	vmul.u32 $0x4B000, v17  }
0xa0: {  	s19 =	sadd.s32 $0x80, s15;
	v13 =	vadd.s32 v13, v14;
	v34 =	vsub.f32 $1.000000000e+00, v11;
	v35 =	vmul.u32 $0x4B000, v16  }
0xa1: {  	v37 =	vor.u32 s19, v0;
	v11 =	vmul.f32 v11, v12;
	v17 =	vadd.s32 v13, v17  }
0xa2: {  	vm15 =	vlt.u32 v15, $0x4;
	v36 =	vmul.f32 v34, v12;
	v38 =	vadd.s32 v13, v35;
	[tilespmem:s16+$0xFFFFFFE0] =	vst v17  }
0xa3: {  	vm14 =	vlt.u32 v15, $0x5;
	v11 =	vnsel vm15, $0x0, v11;
	[tilespmem:s16+$0xFFFFFFF0] =	vst v38  }
0xa4: {  	v39 =	vnsel vm14, $0x0, v36;
	[tilespmem:s17+$0xFFFFFFF0] =	vst v11  }
0xa5: {  	[tilespmem:s17+$0xFFFFFFE0] =	vst v39  }
0xa6: {  	v11 =	vld.idx.msk [tilespmem:v37+s4+$0x0], $0xffff  }
0xa7: {  	v40 =	vor.u32 s19, v2  }
0xa8: {  	v42 =	vor.u32 s19, v4  }
0xa9: {  	v41 =	vor.u32 s19, v3;
	_ =	sdelay $0x1  }
0xaa: {  	v11 =	vmul.f32 $4.000000000e+00, v11  }
0xab: {  	v12 =	vld.idx.msk [tilespmem:v40+s4+$0x0], $0xffff  }
0xac: {  	v14 =	vld.idx.msk [tilespmem:v42+s4+$0x0], $0xffff;
	v11 =	vsub.f32 v11, v10  }
0xad: {  	v13 =	vld.idx.msk [tilespmem:v41+s4+$0x0], $0xffff  }
0xae: {  	v11 =	vmul.f32 v11, v9;
	_ =	sdelay $0x1  }
0xaf: {  	v43 =	vtrunc.f32 v11  }
0xb0: {  	vm5 =	veq.f32 v14, $0.0e+00;
	v44 =	vcvt.f32.s32 v43;
	vm4 =	vlt.f32 v11, v43  }
0xb1: {  	v12 =	vtrunc.f32 v12;
	v13 =	vtrunc.f32 v13;
	v15 =	vsel vm4, $0xFFFFFFFF, v5  }
0xb2: {  	v13 =	vcvt.f32.s32 v13;
	v12 =	vcvt.f32.s32 v12;
	v15 =	vadd.s32 v44, v15  }
0xb3: {  	v16 =	vcvt.s32.f32 v15;
	vm6 =	vgt.s32 v15, $0x0;
	v45 =	vadd.s32 $0x1, v15  }
0xb4: {  	v13 =	vmul.u32 $0x280, v13;
	v46 =	vnsel vm6, $0x0, v15;
	vm7 =	vgt.s32 v45, $0x0  }
0xb5: {  	v11 =	vsub.f32 v11, v16;
	v17 =	vmin.u32 v46, $0x4;
	v16 =	vnsel vm7, $0x0, v45  }
0xb6: {  	v14 =	vsel vm5, $0xBF800000, v14;
	v16 =	vmin.u32 v16, $0x4;
	v17 =	vmul.u32 $0x4B000, v17  }
0xb7: {  	s19 =	sadd.s32 $0xC0, s15;
	v12 =	vadd.s32 v12, v13;
	v47 =	vsub.f32 $1.000000000e+00, v11;
	v48 =	vmul.u32 $0x4B000, v16  }
0xb8: {  	v50 =	vor.u32 s19, v0;
	v11 =	vmul.f32 v11, v14;
	v17 =	vadd.s32 v12, v17  }
0xb9: {  	vm9 =	vlt.u32 v15, $0x4;
	v49 =	vmul.f32 v47, v14;
	v12 =	vadd.s32 v12, v48;
	[tilespmem:s16+$0x0] =	vst v17  }
0xba: {  	vm8 =	vlt.u32 v15, $0x5;
	v11 =	vnsel vm9, $0x0, v11;
	[tilespmem:s16+$0x10] =	vst v12  }
0xbb: {  	v51 =	vnsel vm8, $0x0, v49;
	[tilespmem:s17+$0x10] =	vst v11  }
0xbc: {  	[tilespmem:s17+$0x0] =	vst v51  }
0xbd: {  	v11 =	vld.idx.msk [tilespmem:v50+s4+$0x0], $0xffff  }
0xbe: {  	v52 =	vor.u32 s19, v6  }
0xbf: {  	v54 =	vor.u32 s19, v8  }
0xc0: {  	v53 =	vor.u32 s19, v7;
	_ =	sdelay $0x1  }
0xc1: {  	v11 =	vmul.f32 $4.000000000e+00, v11  }
0xc2: {  	v12 =	vld.idx.msk [tilespmem:v52+s4+$0x0], $0xffff  }
0xc3: {  	v14 =	vld.idx.msk [tilespmem:v54+s4+$0x0], $0xffff;
	v11 =	vsub.f32 v11, v10  }
0xc4: {  	v13 =	vld.idx.msk [tilespmem:v53+s4+$0x0], $0xffff  }
0xc5: {  	v11 =	vmul.f32 v11, v9;
	_ =	sdelay $0x1  }
0xc6: {  	v55 =	vtrunc.f32 v11  }
0xc7: {  	vm11 =	veq.f32 v14, $0.0e+00;
	v56 =	vcvt.f32.s32 v55;
	vm10 =	vlt.f32 v11, v55  }
0xc8: {  	v12 =	vtrunc.f32 v12;
	v13 =	vtrunc.f32 v13;
	v15 =	vsel vm10, $0xFFFFFFFF, v5  }
0xc9: {  	v13 =	vcvt.f32.s32 v13;
	v12 =	vcvt.f32.s32 v12;
	v15 =	vadd.s32 v56, v15  }
0xca: {  	v16 =	vcvt.s32.f32 v15;
	vm12 =	vgt.s32 v15, $0x0;
	v57 =	vadd.s32 $0x1, v15  }
0xcb: {  	v13 =	vmul.u32 $0x280, v13;
	v58 =	vnsel vm12, $0x0, v15;
	vm13 =	vgt.s32 v57, $0x0  }
0xcc: {  	v11 =	vsub.f32 v11, v16;
	v17 =	vmin.u32 v58, $0x4;
	v16 =	vnsel vm13, $0x0, v57  }
0xcd: {  	s18 =	sadd.s32 $0x4, s18;
	v60 =	vsel vm11, $0xBF800000, v14;
	v16 =	vmin.u32 v16, $0x4;
	v17 =	vmul.u32 $0x4B000, v17  }
0xce: {  	p1 =	slt.u32 s18, $0x60;
	v12 =	vadd.s32 v12, v13;
	v59 =	vsub.f32 $1.000000000e+00, v11;
	v61 =	vmul.u32 $0x4B000, v16  }
.Ltmp1:
0xcf: {  	v11 =	vmul.f32 v11, v60;
	v17 =	vadd.s32 v12, v17;
	(pc) =	sbr.rel @p1 .LBB2_6-.Ltmp1, $4  }
0xd0: {  	vm15 =	vlt.u32 v15, $0x4;
	v62 =	vmul.f32 v59, v60;
	v12 =	vadd.s32 v12, v61;
	[tilespmem:s16+$0x20] =	vst v17  }
0xd1: {  	vm14 =	vlt.u32 v15, $0x5;
	v11 =	vnsel vm15, $0x0, v11;
	[tilespmem:s16+$0x30] =	vst v12  }
0xd2: {  	v63 =	vnsel vm14, $0x0, v62;
	[tilespmem:s17+$0x30] =	vst v11  }
0xd3: {  	s15 =	sadd.s32 $0x100, s15;
	s16 =	sadd.s32 $0x80, s16;
	[tilespmem:s17+$0x20] =	vst v63;
	s17 =	sadd.s32 $0x80, s17  }
0xd4: {  	p1 =	seq.s32 s10, $0x0  }
.Ltmp2:
0xd5: {  	_ = 	snop;
	(pc) =	sbr.rel @p1 .LBB2_9-.Ltmp2, $1  }
0xd6: {  	_ =	sdelay $0x3  }
0xd7: {  	_ =	swait.ge [sflag:s1], $0x80  }
0xd8: {  	[sflag:s1] =	ssyncset.done $0x0  }
0xd9: {  	[sflag:s1] =	ssyncadd.s32 $0xFFFFFF80  }
0xda: {  	_ =	swait.ge [sflag:s1], $0x80  }
0xdb: {  	[sflag:s1] =	ssyncset.done $0x0  }
0xdc: {  	[sflag:s1] =	ssyncadd.s32 $0xFFFFFF80  }
0xdd: {  	_ =	swait.ge [sflag:s1], $0x80  }
0xde: {  	[sflag:s1] =	ssyncset.done $0x0  }
0xdf: {  	[sflag:s1] =	ssyncadd.s32 $0xFFFFFF80  }
0xe0: {  	_ =	swait.ge [sflag:s1], $0x80  }
0xe1: {  	[sflag:s1] =	ssyncset.done $0x0  }
0xe2: {  	[sflag:s1] =	ssyncadd.s32 $0xFFFFFF80  }
0xe3: {  	_ =	swait.ge [sflag:s1], $0x80  }
0xe4: {  	[sflag:s1] =	ssyncset.done $0x0  }
0xe5: {  	[sflag:s1] =	ssyncadd.s32 $0xFFFFFF80  }
0xe6: {  	_ =	swait.ge [sflag:s1], $0x80  }
0xe7: {  	[sflag:s1] =	ssyncset.done $0x0  }
0xe8: {  	[sflag:s1] =	ssyncadd.s32 $0xFFFFFF80  }
0xe9: {  	_ =	swait.ge [sflag:s1], $0x80  }
0xea: {  	[sflag:s1] =	ssyncset.done $0x0  }
0xeb: {  	[sflag:s1] =	ssyncadd.s32 $0xFFFFFF80  }
0xec: {  	_ =	swait.ge [sflag:s1], $0x80  }
0xed: {  	[sflag:s1] =	ssyncset.done $0x0  }
0xee: {  	[sflag:s1] =	ssyncadd.s32 $0xFFFFFF80  }
0xef: {  	_ =	swait.ge [sflag:s1], $0x80  }
0xf0: {  	[sflag:s1] =	ssyncset.done $0x0  }
0xf1: {  	[sflag:s1] =	ssyncadd.s32 $0xFFFFFF80  }
0xf2: {  	_ =	swait.ge [sflag:s1], $0x80  }
0xf3: {  	[sflag:s1] =	ssyncset.done $0x0  }
0xf4: {  	[sflag:s1] =	ssyncadd.s32 $0xFFFFFF80  }
0xf5: {  	_ =	swait.ge [sflag:s1], $0x80  }
0xf6: {  	[sflag:s1] =	ssyncset.done $0x0  }
0xf7: {  	[sflag:s1] =	ssyncadd.s32 $0xFFFFFF80  }
0xf8: {  	_ =	swait.ge [sflag:s1], $0x80  }
0xf9: {  	[sflag:s1] =	ssyncset.done $0x0  }
0xfa: {  	[sflag:s1] =	ssyncadd.s32 $0xFFFFFF80  }
0xfb: {  	_ =	swait.ge [sflag:s1], $0x80  }
0xfc: {  	[sflag:s1] =	ssyncset.done $0x0  }
0xfd: {  	[sflag:s1] =	ssyncadd.s32 $0xFFFFFF80  }
0xfe: {  	_ =	swait.ge [sflag:s1], $0x80  }
0xff: {  	[sflag:s1] =	ssyncset.done $0x0  }
0x100: {  	[sflag:s1] =	ssyncadd.s32 $0xFFFFFF80  }
0x101: {  	_ =	swait.ge [sflag:s1], $0x80  }
0x102: {  	[sflag:s1] =	ssyncset.done $0x0  }
0x103: {  	[sflag:s1] =	ssyncadd.s32 $0xFFFFFF80  }
0x104: {  	_ =	swait.ge [sflag:s1], $0x80  }
0x105: {  	[sflag:s1] =	ssyncset.done $0x0  }
0x106: {  	[sflag:s1] =	ssyncadd.s32 $0xFFFFFF80  }
0x107: {  	_ =	swait.ge [sflag:s1], $0x80  }
0x108: {  	[sflag:s1] =	ssyncset.done $0x0  }
0x109: {  	[sflag:s1] =	ssyncadd.s32 $0xFFFFFF80  }
0x10a: {  	_ =	swait.ge [sflag:s1], $0x80  }
0x10b: {  	[sflag:s1] =	ssyncset.done $0x0  }
0x10c: {  	[sflag:s1] =	ssyncadd.s32 $0xFFFFFF80  }
0x10d: {  	_ =	swait.ge [sflag:s1], $0x80  }
0x10e: {  	[sflag:s1] =	ssyncset.done $0x0  }
0x10f: {  	[sflag:s1] =	ssyncadd.s32 $0xFFFFFF80  }
0x110: {  	_ =	swait.ge [sflag:s1], $0x80  }
0x111: {  	[sflag:s1] =	ssyncset.done $0x0  }
0x112: {  	[sflag:s1] =	ssyncadd.s32 $0xFFFFFF80  }
0x113: {  	_ =	swait.ge [sflag:s1], $0x80  }
0x114: {  	[sflag:s1] =	ssyncset.done $0x0  }
0x115: {  	[sflag:s1] =	ssyncadd.s32 $0xFFFFFF80  }
0x116: {  	_ =	swait.ge [sflag:s1], $0x80  }
0x117: {  	[sflag:s1] =	ssyncset.done $0x0  }
0x118: {  	[sflag:s1] =	ssyncadd.s32 $0xFFFFFF80  }
0x119: {  	_ =	swait.ge [sflag:s1], $0x80  }
0x11a: {  	[sflag:s1] =	ssyncset.done $0x0  }
0x11b: {  	[sflag:s1] =	ssyncadd.s32 $0xFFFFFF80  }
0x11c: {  	_ =	swait.ge [sflag:s1], $0x80  }
0x11d: {  	[sflag:s1] =	ssyncset.done $0x0  }
0x11e: {  	[sflag:s1] =	ssyncadd.s32 $0xFFFFFF80  }
0x11f: {  	_ =	swait.ge [sflag:s1], $0x80  }
0x120: {  	[sflag:s1] =	ssyncset.done $0x0  }
0x121: {  	[sflag:s1] =	ssyncadd.s32 $0xFFFFFF80  }
.LBB2_9:
0x122: {  	s10 =	simm.s32 $0x200;
	s15 =	sadd.s32 $0x0, s11;
	s16 =	sadd.s32 $0x0, s13  }
.LBB2_10:
0x123: {  	[spmem:s2] =	stream.indirect.scatter.add.f32 [tilespmem:s15], [sflag:$0x2], $0x1, s16, s0, $0xb8;
	[tilespmem:$0x1F900] =	vst v63  }
0x124: {  	s15 =	smov.u32 s10;
	p1 =	seq.s32 s10, $0x3000  }
.Ltmp3:
0x125: {  	s10 =	sadd.s32 $0x200, s10;
	(pc) =	sbr.rel @!p1 .LBB2_10-.Ltmp3, $3  }
0x126: {  	_ =	sdelay $0x1  }
0x127: {  	s16 =	sshra.s32 s15, $0x2  }
0x128: {  	s15 =	sadd.s32 s16, s11;
	s16 =	sadd.s32 s16, s13  }
0x129: {  	p1 =	sne.s32 s14, s9  }
.Ltmp4:
0x12a: {  	_ = 	snop;
	(pc) =	sbr.rel @p1 .LBB2_5-.Ltmp4, $3  }
0x12b: {  	_ =	sdelay $0x1  }
0x12c: {  	[spmem:s2] =	stream.indirect.scatter.add.f32 [tilespmem:s15], [sflag:$0x2], $0x1, s16, s0, $0xb8;
	[tilespmem:$0x1F900] =	vst v63  }
0x12d: {  	p0 =	por !p0, !p0  }
0x12e: {  	_ =	swait.ge [sflag:s1], $0x80  }
0x12f: {  	[sflag:s1] =	ssyncset.done $0x0  }
0x130: {  	[sflag:s1] =	ssyncadd.s32 $0xFFFFFF80  }
0x131: {  	_ =	swait.ge [sflag:s1], $0x80  }
0x132: {  	[sflag:s1] =	ssyncset.done $0x0  }
0x133: {  	[sflag:s1] =	ssyncadd.s32 $0xFFFFFF80  }
0x134: {  	_ =	swait.ge [sflag:s1], $0x80  }
0x135: {  	[sflag:s1] =	ssyncset.done $0x0  }
0x136: {  	[sflag:s1] =	ssyncadd.s32 $0xFFFFFF80  }
0x137: {  	_ =	swait.ge [sflag:s1], $0x80  }
0x138: {  	[sflag:s1] =	ssyncset.done $0x0  }
0x139: {  	[sflag:s1] =	ssyncadd.s32 $0xFFFFFF80  }
0x13a: {  	_ =	swait.ge [sflag:s1], $0x80  }
0x13b: {  	[sflag:s1] =	ssyncset.done $0x0  }
0x13c: {  	[sflag:s1] =	ssyncadd.s32 $0xFFFFFF80  }
0x13d: {  	_ =	swait.ge [sflag:s1], $0x80  }
0x13e: {  	[sflag:s1] =	ssyncset.done $0x0  }
0x13f: {  	[sflag:s1] =	ssyncadd.s32 $0xFFFFFF80  }
0x140: {  	_ =	swait.ge [sflag:s1], $0x80  }
0x141: {  	[sflag:s1] =	ssyncset.done $0x0  }
0x142: {  	[sflag:s1] =	ssyncadd.s32 $0xFFFFFF80  }
0x143: {  	_ =	swait.ge [sflag:s1], $0x80  }
0x144: {  	[sflag:s1] =	ssyncset.done $0x0  }
0x145: {  	[sflag:s1] =	ssyncadd.s32 $0xFFFFFF80  }
0x146: {  	_ =	swait.ge [sflag:s1], $0x80  }
0x147: {  	[sflag:s1] =	ssyncset.done $0x0  }
0x148: {  	[sflag:s1] =	ssyncadd.s32 $0xFFFFFF80  }
0x149: {  	_ =	swait.ge [sflag:s1], $0x80  }
0x14a: {  	[sflag:s1] =	ssyncset.done $0x0  }
0x14b: {  	[sflag:s1] =	ssyncadd.s32 $0xFFFFFF80  }
0x14c: {  	_ =	swait.ge [sflag:s1], $0x80  }
0x14d: {  	[sflag:s1] =	ssyncset.done $0x0  }
0x14e: {  	[sflag:s1] =	ssyncadd.s32 $0xFFFFFF80  }
0x14f: {  	_ =	swait.ge [sflag:s1], $0x80  }
0x150: {  	[sflag:s1] =	ssyncset.done $0x0  }
0x151: {  	[sflag:s1] =	ssyncadd.s32 $0xFFFFFF80  }
0x152: {  	_ =	swait.ge [sflag:s1], $0x80  }
0x153: {  	[sflag:s1] =	ssyncset.done $0x0  }
0x154: {  	[sflag:s1] =	ssyncadd.s32 $0xFFFFFF80  }
0x155: {  	_ =	swait.ge [sflag:s1], $0x80  }
0x156: {  	[sflag:s1] =	ssyncset.done $0x0  }
0x157: {  	[sflag:s1] =	ssyncadd.s32 $0xFFFFFF80  }
0x158: {  	_ =	swait.ge [sflag:s1], $0x80  }
0x159: {  	[sflag:s1] =	ssyncset.done $0x0  }
0x15a: {  	[sflag:s1] =	ssyncadd.s32 $0xFFFFFF80  }
0x15b: {  	_ =	swait.ge [sflag:s1], $0x80  }
0x15c: {  	[sflag:s1] =	ssyncset.done $0x0  }
0x15d: {  	[sflag:s1] =	ssyncadd.s32 $0xFFFFFF80  }
0x15e: {  	_ =	swait.ge [sflag:s1], $0x80  }
0x15f: {  	[sflag:s1] =	ssyncset.done $0x0  }
0x160: {  	[sflag:s1] =	ssyncadd.s32 $0xFFFFFF80  }
0x161: {  	_ =	swait.ge [sflag:s1], $0x80  }
0x162: {  	[sflag:s1] =	ssyncset.done $0x0  }
0x163: {  	[sflag:s1] =	ssyncadd.s32 $0xFFFFFF80  }
0x164: {  	_ =	swait.ge [sflag:s1], $0x80  }
0x165: {  	[sflag:s1] =	ssyncset.done $0x0  }
0x166: {  	[sflag:s1] =	ssyncadd.s32 $0xFFFFFF80  }
0x167: {  	_ =	swait.ge [sflag:s1], $0x80  }
0x168: {  	[sflag:s1] =	ssyncset.done $0x0  }
0x169: {  	[sflag:s1] =	ssyncadd.s32 $0xFFFFFF80  }
0x16a: {  	_ =	swait.ge [sflag:s1], $0x80  }
0x16b: {  	[sflag:s1] =	ssyncset.done $0x0  }
0x16c: {  	[sflag:s1] =	ssyncadd.s32 $0xFFFFFF80  }
0x16d: {  	_ =	swait.ge [sflag:s1], $0x80  }
0x16e: {  	[sflag:s1] =	ssyncset.done $0x0  }
0x16f: {  	[sflag:s1] =	ssyncadd.s32 $0xFFFFFF80  }
0x170: {  	_ =	swait.ge [sflag:s1], $0x80  }
0x171: {  	[sflag:s1] =	ssyncset.done $0x0  }
0x172: {  	[sflag:s1] =	ssyncadd.s32 $0xFFFFFF80  }
0x173: {  	_ =	swait.ge [sflag:s1], $0x80  }
0x174: {  	[sflag:s1] =	ssyncset.done $0x0  }
0x175: {  	[sflag:s1] =	ssyncadd.s32 $0xFFFFFF80  }
0x176: {  	_ =	swait.ge [sflag:s1], $0x80  }
0x177: {  	s18 =	sshll.u32 s3, $0x6;
	[sflag:s1] =	ssyncset.done $0x0  }
0x178: {  	s19 =	sshrl.u32 s8, $0x3;
	s10 =	rddreg [dreg:$0x7];
	[sflag:s1] =	ssyncadd.s32 $0xFFFFFF80  }
0x179: {  	s13 =	simm.s32 $0x10;
	s7 =	sadd.s32 s10, s7;
	[bflag:$0x0] =	sbarrier.arrive $0xFFFF  }
0x17a: {  	s6 =	sadd.s32 $0x1, s6;
	s7 =	sshrl.u32 s7, $0x3;
	s11 =	rddreg [dreg:$0x4]  }
0x17b: {  	p0 =	seq.s32 s6, $0x4;
	s10 =	sor.u32 $0x1C03, s18;
	s7 =	sadd.s32 s11, s7  }
0x17c: {  	[hbm:s7@s0], [sflag:s10] =	dma.strided [spmem:s19@s13], $0x2EE0, s12, $0x10   }
.Ltmp5:
0x17d: {  	_ =	swait.ge [sflag:s30], $0x2EE0;
	(pc) =	sbr.rel @!p0 .LBB2_4-.Ltmp5, $3  }
0x17e: {  	[sflag:s30] =	ssyncset.done $0x0  }
0x17f: {  	[sflag:s30] =	ssyncadd.s32 $0xFFFFD120  }
0x180: {  	[bflag:$0x0] =	sbarrier.arrive $0xFFFF;
	_ =	sdelay $0x1  }
0x181: {  	s7 =	rddreg [dreg:$0x10]  }
0x182: {  	s6 =	rddreg [dreg:$0x8];
	s7 =	sadd.s32 $0x1, s7  }
0x183: {  	p0 =	sne.s32 s7, s6  }
.Ltmp6:
0x184: {  	_ = 	snop;
	(pc) =	sbr.rel @p0 .LBB2_1-.Ltmp6, $1  }
0x185: {  	_ =	sdelay $0x3  }
0x186: {  	_ =	sfence.sel $0x180000  }
0x187: {  	[bflag:$0x0] =	sbarrier.arrive $0xFFFF  }
0x188: {  	_ =	strace $0x90000047  }
0x189: {  	[bflag:$0x2] =	sbarrier.arrive $0xFFFF  }
0x18a: {  	p0 =	sne.s32 s3, $0x0;
	s0 =	rddreg [dreg:$0x3]  }
0x18b: {  	s0 =	sadd.s32 @!p0 $0x100000, s0  }
0x18c: {  	[sflag:s0] =	ssyncadd.tile.s32 @!p0 $0x1;
	_ =	shalt  }
.Lfunc_end2:
_tile_overlayer_lowered:
.L_overlay_start_2:
0x18d: {  	(tag) =	ssettag $0x2  }
0x18e: {  	s0 =	rddreg [dreg:$0x0];
	s2 =	stileid.u32  }
0x18f: {  	s1 =	rddreg [dreg:$0x1];
	p0 =	sne.s32 s2, $0x0  }
0x190: {  	s3 =	rddreg [dreg:$0x2];
	[bflag:$0x3] =	sbarrier.arrive $0xFFFF;
	s2 =	simm.s32 @!p0 $0x1C03  }
0x191: {  	[timem:s3], [sflag:s2] =	dma.local @!p0 [hbm:s0], s1  }
0x192: {  	s0 =	simm.s32 @!p0 $0x3  }
0x193: {  	_ =	swait.ge @!p0 [sflag:s0], s1  }
0x194: {  	s1 =	ssub.s32 @!p0 $0x0, s1;
	[sflag:s0] =	ssyncset.done @!p0 $0x0  }
0x195: {  	[sflag:s0] =	ssyncadd.s32 @!p0 s1  }
0x196: {  	[bflag:$0x3] =	sbarrier.arrive $0xFFFF  }
0x197: {  	_ =	shalt  }

// kernel: sparse-core-data-format-call.cloned.1.call-start
scs
called_computation_lowered:
.L_overlay_start_0:
0x0: {  	s2 =	sld [smem:$0x3FD9]  }
0x1: {  	s3 =	sld [smem:$0x3FFE];
	_ =	sdelay $0x1  }
0x2: {  	s1 =	srdreg.scid  }
0x3: {  	s0 =	sand.u32 $0x1, s1  }
0x4: {  	s18 =	sshll.u32 s0, $0xA;
	s2 =	sadd.s32 s3, s2  }
0x5: {  	s2 =	sadd.s32 s2, s18  }
0x6: {  	[smem:$0x3FC7] =	sst s2  }
0x7: {  	_ = 	snop  }
0x8: {  	s2 =	sld [smem:$0x3FD0];
	(tm) =	ssettm $0x1  }
0x9: {  	s19 =	sld [smem:$0x3FFB];
	_ =	sdelay $0x3  }
0xa: {  	_ =	strace s19  }
0xb: {  	s3 =	sld [smem:$0x3FFC];
	_ =	sdelay $0x3  }
0xc: {  	_ =	strace s3  }
0xd: {  	s3 =	sld [smem:$0x3FFD];
	_ =	sdelay $0x3  }
0xe: {  	_ =	strace s3  }
0xf: {  	_ =	strace $0x8FFFFFFF  }
0x10: {  	s20 =	sld [smem:$0x3FDB];
	_ =	sdelay $0x1  }
0x11: {  	s4 =	simm.s32 $_scs_section_size  }
0x12: {  	s5 =	simm.s32 $_size__tile_overlayer_lowered;
	s6 =	simm.s32 $_tile_overlayer_lowered  }
0x13: {  	s23 =	simm.s32 $0x1BFF;
	s22 =	sshll.u32 s6, $0x1;
	s3 =	sadd.s32 s4, s20  }
0x14: {  	s7 =	simm.s32 $0x0;
	s21 =	sshll.u32 s5, $0x1;
	s5 =	sadd.s32 s22, s3  }
0x15: {  	[timem:s7], [sflag:s23] =	dma.local [hbm:s5], s21  }
0x16: {  	_ =	swait.ge [sflag:s23], s21  }
0x17: {  	s4 =	ssub.s32 $0x0, s21;
	[sflag:s23] =	ssyncset.done $0x0  }
0x18: {  	[sflag:s23] =	ssyncadd.s32 s4;
	_ =	sdelay $0x1  }
0x19: {  	s24 =	simm.s32 $0x1B8B  }
0x1a: {  	_ =	swait.ge [sflag:s24], $0x1  }
0x1b: {  	[sflag:s24] =	ssyncset.done $0x0  }
0x1c: {  	s26 =	simm.s32 $0x1B8E;
	s25 =	sld [smem:$0x3FFE];
	[sflag:s24] =	ssyncadd.s32 $0xFFFFFFFF  }
0x1d: {  	s27 =	simm.s32 $execute0_lowered;
	[smem:$0x3FD2] =	sst s26  }
0x1e: {  	s5 =	sshll.u32 s27, $0x1;
	_ =	strace $0x80000049;
	[dreg:$0x1] =	wrdreg $0xFFFFFFFF  }
0x1f: {  	s28 =	simm.s32 $_size_execute0_lowered;
	s3 =	sadd.s32 s3, s5;
	[dreg:$0x0] =	wrdreg $0x0  }
0x20: {  	s5 =	sshll.u32 s28, $0x1;
	[dreg:$0x2] =	wrdreg s3  }
0x21: {  	[dreg:$0x3] =	wrdreg s5  }
0x22: {  	[dreg:$0x4] =	wrdreg $0xC0  }
0x23: {  	_ =	task [dreg:s7], $0x5FFFF  }
0x24: {  	[dreg:$0x1] =	wrdreg $0xFFFFFFFF  }
0x25: {  	[dreg:$0x0] =	wrdreg $0x60  }
0x26: {  	[dreg:$0x2] =	wrdreg s25  }
0x27: {  	[dreg:$0x3] =	wrdreg s2  }
0x28: {  	[dreg:$0x4] =	wrdreg $0x9  }
0x29: {  	_ =	task.clear_ibuf [dreg:s7], $0x5FFFF;
	_ =	strace $0x90000049  }
0x2a: {  	s29 =	simm.s32 $0x9;
	_ =	strace $0x8000004B  }
0x2b: {  	_ =	swait.ge [sflag:s29], $0x1  }
0x2c: {  	[sflag:s29] =	ssyncadd.s32 $0xFFFFFFFF  }
0x2d: {  	_ =	strace $0x9000004B  }
0x2e: {  	_ =	sfence  }
0x2f: {  	s30 =	sld [smem:$0x0];
	_ =	sdelay $0x2  }
0x30: {  	s31 =	sshll.u32 s1, $0xD;
	s1 =	sshrl.u32 s1, $0x2  }
0x31: {  	s3 =	sand.u32 $0x4000, s31;
	s1 =	sadd.s32 s1, s30  }
0x32: {  	s0 =	sor.u32 s3, s0;
	s1 =	sshll.u32 s1, $0x11  }
0x33: {  	s0 =	sor.u32 s1, s0  }
0x34: {  	s0 =	sadd.s32 $0x8F2B, s0  }
0x35: {  	[sflag:s0] =	ssyncadd.remote.s32 $0x1  }
0x36: {  	_ =	sfence.sel $0xFFFF  }
0x37: {  	[dreg:$0x0] =	wrdreg $0xFFFFFFFF;
	(pc) =	sbr.abs _section_cstart, $3  }
0x38: {  	[dreg:$0x1] =	wrdreg $0xFFFFFFFF  }
0x39: {  	_ =	task.clear_ibuf [dreg:s7], $0x2FFFF;
	_ =	strace $0x9FFFFFFF  }
0x3a: {  	(tm) =	ssettm $0x7FFFFFFF  }
0x3b: {  	_ =	shalt  }
tec
execute0_lowered:
.L_overlay_start_1:
0x0: {  	(tag) =	ssettag $0x1  }
0x1: {  	s0 =	rddreg [dreg:$0x0];
	s1 =	srdreg.scid;
	_ =	strace $0x8000004A  }
0x2: {  	s2 =	stileid.u32;
	s3 =	simm.s32 $0x1;
	s31 =	simm.s32 $0x2  }
0x3: {  	s22 =	simm.s32 $0x0;
	s16 =	simm.s32 $0x1400;
	s20 =	simm.s32 $0x0  }
0x4: {  	s23 =	simm.s32 $0x0;
	s19 =	simm.s32 $0x0;
	s8 =	simm.s32 $0x0  }
0x5: {  	s17 =	simm.s32 $0x0;
	s11 =	simm.s32 $0x0;
	s18 =	simm.s32 $0x0  }
0x6: {  	s12 =	simm.s32 $0x0;
	s21 =	simm.s32 $0x0;
	s10 =	simm.s32 $0x0  }
.Ltmp0:
0x7: {  	s1 =	sshll.u32 s1, $0x4;
	s0 =	sadd.s32 $0x400, s0;
	(pc) =	sbr.rel .LBB1_1-.Ltmp0, $4  }
0x8: {  	s30 =	sshll.u32 s2, $0x7;
	[sflag:s3] =	ssyncpa.u1 $0x0;
	s1 =	sand.u32 $0x10, s1  }
0x9: {  	[dreg:$0x3] =	wrdreg s0;
	s13 =	sand.u32 $0x180, s30;
	s29 =	sor.u32 s2, s1  }
0xa: {  	[sflag:s31] =	ssyncpa.u1 $0x0;
	[dreg:$0x5] =	wrdreg s13;
	s9 =	sshrl.u32 s29, $0x2  }
0xb: {  	s15 =	smov.u32 s13;
	s14 =	smov.u32 s9;
	[dreg:$0x4] =	wrdreg s9  }
.LBB1_18:
0xc: {  	s0 =	sshrl.u32 s11, $0x3  }
0xd: {  	s1 =	sshll.u32 s8, $0x3;
	s0 =	smul.u32 $0x1400, s0  }
0xe: {  	s2 =	sshll.u32 s11, $0x7;
	s1 =	sand.u32 $0xFFFFFC00, s1  }
0xf: {  	s23 =	sand.u32 $0x380, s2;
	s0 =	sadd.s32 s0, s1  }
0x10: {  	s24 =	sand.u32 $0x7F, s8;
	s0 =	sor.u32 s23, s0  }
0x11: {  	s1 =	sor.u32 s24, s0;
	s0 =	smulhi.u32 $0xCCCCCCCD, s0  }
0x12: {  	s18 =	rddreg [dreg:$0x7]  }
0x13: {  	s17 =	rddreg [dreg:$0x6];
	s2 =	smulhi.u32 $0xCCCCCCCD, s1;
	s0 =	sshrl.u32 s0, $0x9  }
0x14: {  	s26 =	rddreg [dreg:$0x1];
	s3 =	smulhi.u32 $0x888889, s0  }
0x15: {  	s29 =	sor.u32 $0x8000, s22;
	s31 =	rddreg [dreg:$0xb];
	s4 =	smul.u32 $0x9600, s18  }
0x16: {  	s9 =	rddreg [dreg:$0x4];
	s2 =	sshrl.u32 s2, $0x9;
	s3 =	smul.u32 $0x1E0, s3  }
0x17: {  	s16 =	simm.s32 $0x1400;
	s13 =	rddreg [dreg:$0x5];
	s2 =	smul.u32 $0x280, s2  }
0x18: {  	s21 =	rddreg [dreg:$0x8];
	s25 =	smul.u32 $0x2EE00, s17;
	s0 =	ssub.s32 s0, s3  }
0x19: {  	s1 =	ssub.s32 s1, s2;
	s2 =	sadd.s32 s26, s4;
	s0 =	smul.u32 $0x50, s0  }
0x1a: {  	s22 =	rddreg [dreg:$0x9];
	s2 =	sadd.s32 s25, s2;
	s27 =	sand.u32 $0x7, s1  }
0x1b: {  	s1 =	sshrl.u32 s1, $0x3;
	s28 =	sshll.u32 s27, $0x12;
	s0 =	sadd.s32 s0, s2  }
0x1c: {  	s23 =	rddreg [dreg:$0xa];
	s30 =	sor.u32 $0x400, s28;
	s0 =	sadd.s32 s1, s0  }
0x1d: {  	[hbm4b:s0+s30] =	stream.strided.scatter [tilespmem:s29], [sflag:$0x2], s31, s16, s30, $0x38;
	[tilespmem:$0x10000] =	vst v63  }
.LBB1_19:
0x1e: {  	p0 =	slt.u32 s10, $0x2;
	s0 =	smov.u32 s20;
	s2 =	smov.u32 s19  }
0x1f: {  	s4 =	smov.u32 s22;
	p1 =	sgt.s32 @!p0 s20, $0x7;
	s1 =	sshra.s32 @!p0 s20, $0x1F  }
0x20: {  	s3 =	sshra.s32 @!p0 s19, $0x1F;
	p3 =	sgt.s32 @!p0 s22, $0x200;
	p1 =	por !p1, p0  }
0x21: {  	s1 =	sand.u32 @!p0 s1, s20;
	s0 =	simm.s32 @p1 $0x7;
	p1 =	sgt.s32 @!p0 s19, $0x4  }
0x22: {  	p3 =	por !p3, p0;
	s0 =	ssub.s32 @!p0 s0, s1;
	p1 =	por !p1, p0  }
0x23: {  	s4 =	simm.s32 @p3 $0x200;
	s1 =	sadd.s32 @!p0 $0xFFFFFFF9, s0;
	s2 =	simm.s32 @p1 $0x4  }
0x24: {  	s0 =	ssub.s32 @!p0 $0x8, s0;
	p2 =	sgt.s32 @!p0 s1, $0x0;
	s1 =	sand.u32 @!p0 s3, s19  }
0x25: {  	s3 =	sshra.s32 @!p0 s23, $0x1F;
	p1 =	por !p2, p0;
	s1 =	ssub.s32 @!p0 s2, s1  }
0x26: {  	p2 =	sgt.s32 @!p0 s23, $0x160;
	s0 =	simm.s32 @!p1 $0x0;
	s2 =	sadd.s32 @!p0 $0xFFFFFFFC, s1  }
0x27: {  	p2 =	por !p2, p0;
	p1 =	sgt.s32 @!p0 s2, $0x0;
	s2 =	smov.u32 s23  }
0x28: {  	s3 =	sand.u32 @!p0 s3, s23;
	s1 =	ssub.s32 @!p0 $0x5, s1;
	s2 =	simm.s32 @p2 $0x160  }
0x29: {  	p1 =	por !p1, p0;
	s2 =	ssub.s32 @!p0 s2, s3;
	s3 =	sshra.s32 @!p0 s22, $0x1F  }
0x2a: {  	s1 =	simm.s32 @!p1 $0x0;
	s3 =	sand.u32 @!p0 s3, s22;
	s5 =	sadd.s32 @!p0 $0xFFFFFEA0, s2  }
0x2b: {  	s2 =	ssub.s32 @!p0 $0x1E0, s2;
	p1 =	sgt.s32 @!p0 s5, $0x7F;
	s3 =	ssub.s32 @!p0 s4, s3  }
0x2c: {  	s5 =	smov.u32 s14;
	p1 =	por !p1, p0;
	s4 =	sadd.s32 @!p0 $0xFFFFFE00, s3  }
0x2d: {  	s3 =	ssub.s32 @!p0 $0x280, s3;
	s2 =	simm.s32 @!p1 $0x0;
	p1 =	sgt.s32 @!p0 s4, $0x7F  }
0x2e: {  	p1 =	por !p1, p0;
	s1 =	smul.u32 @!p0 s1, s2;
	s2 =	sadd.s32 $0x80, s12  }
0x2f: {  	s4 =	sadd.s32 $0x8, s14;
	s3 =	simm.s32 @!p1 $0x0;
	p1 =	sgt.s32 s2, $0x27F  }
0x30: {  	s0 =	smul.u32 @!p0 s0, s1;
	s5 =	smov.u32 @p1 s4;
	s2 =	simm.s32 @p1 $0x0  }
0x31: {  	s1 =	sadd.s32 $0x200, s15;
	s4 =	smov.u32 s15;
	p1 =	sgt.s32 s5, $0x7  }
0x32: {  	s4 =	smov.u32 @p1 s1  }
0x33: {  	s5 =	smov.u32 @p1 s9;
	s1 =	simm.s32 $0x1;
	p1 =	sgt.s32 s4, $0x1DF  }
0x34: {  	s10 =	sadd.s32 $0x1, s10;
	s20 =	smov.u32 s17;
	s1 =	simm.s32 @!p1 $0x0  }
0x35: {  	s17 =	smov.u32 s14;
	s19 =	smov.u32 s18;
	s1 =	sadd.s32 s1, s21  }
0x36: {  	s18 =	smov.u32 s21;
	s4 =	smov.u32 @p1 s13;
	p1 =	sgt.s32 s1, $0x4  }
0x37: {  	s0 =	smul.u32 @!p0 s3, s0;
	s1 =	simm.s32 @p1 $0x0;
	p1 =	sne.s32 s10, $0x1B  }
.Ltmp1:
0x38: {  	s23 =	smov.u32 s11;
	s11 =	smov.u32 s15;
	(pc) =	sbr.rel @!p1 .LBB1_20-.Ltmp1, $4  }
0x39: {  	s22 =	smov.u32 s8;
	s3 =	simm.s32 @!p0 $0x2;
	s0 =	sand.u32 @!p0 $0x3FFFFFFF, s0  }
0x3a: {  	s8 =	smov.u32 s12;
	s12 =	smov.u32 s2;
	_ =	swait.ge @!p0 [sflag:s3], s0  }
0x3b: {  	s14 =	smov.u32 s5;
	s0 =	ssub.s32 @!p0 $0x0, s0;
	[sflag:s3] =	ssyncset.done @!p0 $0x0  }
0x3c: {  	s15 =	smov.u32 s4;
	[sflag:s3] =	ssyncadd.s32 @!p0 s0;
	s21 =	smov.u32 s1  }
.LBB1_1:
0x3d: {  	p0 =	sgt.u32 s10, $0x18  }
.Ltmp2:
0x3e: {  	_ = 	snop;
	(pc) =	sbr.rel @p0 .LBB1_3-.Ltmp2, $1  }
0x3f: {  	_ =	sdelay $0x3  }
0x40: {  	s0 =	sshrl.u32 s14, $0x3  }
0x41: {  	s1 =	sshll.u32 s12, $0x3;
	s2 =	sshll.u32 s14, $0x7;
	s0 =	smul.u32 $0x1400, s0  }
0x42: {  	s28 =	sand.u32 $0x7F, s12;
	p0 =	sgt.s32 s21, $0x4;
	s1 =	sand.u32 $0xFFFFFC00, s1  }
0x43: {  	s3 =	smov.u32 s21;
	s27 =	sand.u32 $0x380, s2;
	s0 =	sadd.s32 s0, s1  }
0x44: {  	s4 =	sshra.s32 s21, $0x1F;
	s5 =	sshra.s32 s15, $0x1F;
	s0 =	sor.u32 s27, s0  }
0x45: {  	s6 =	sshra.s32 s14, $0x1F;
	s26 =	smul.u32 $0x4B000, s21;
	s1 =	sor.u32 s28, s0  }
0x46: {  	s7 =	sxor.u32 $0xFFFFFFFF, s10;
	s24 =	sshra.s32 s12, $0x1F;
	s2 =	smulhi.u32 $0xCCCCCCCD, s1  }
0x47: {  	s3 =	simm.s32 @!p0 $0x4;
	s4 =	sand.u32 s4, s21;
	p0 =	sgt.s32 s15, $0x160  }
0x48: {  	s30 =	sand.u32 s5, s15;
	s29 =	ssub.s32 s3, s4;
	s2 =	sshrl.u32 s2, $0x9  }
0x49: {  	s3 =	smov.u32 s15;
	s4 =	sadd.s32 $0xFFFFFFFC, s29;
	s2 =	smul.u32 $0x280, s2  }
0x4a: {  	s6 =	sand.u32 s6, s14;
	s3 =	simm.s32 @!p0 $0x160;
	p0 =	sgt.s32 s4, $0x0  }
0x4b: {  	s3 =	ssub.s32 s3, s30;
	s1 =	ssub.s32 s1, s2;
	s2 =	ssub.s32 $0x5, s29  }
0x4c: {  	s4 =	smov.u32 s14;
	s2 =	simm.s32 @p0 $0x0;
	p0 =	sgt.s32 s14, $0x7  }
0x4d: {  	s5 =	sshll.u32 s7, $0xE;
	s31 =	sadd.s32 $0xFFFFFEA0, s3;
	s4 =	simm.s32 @!p0 $0x7  }
0x4e: {  	s3 =	ssub.s32 $0x1E0, s3;
	p0 =	sgt.s32 s31, $0x7F;
	s4 =	ssub.s32 s4, s6  }
0x4f: {  	s0 =	smulhi.u32 $0xCCCCCCCD, s0;
	s3 =	simm.s32 @p0 $0x0;
	s6 =	sadd.s32 $0xFFFFFFF9, s4  }
0x50: {  	s2 =	smul.u32 s2, s3;
	s3 =	ssub.s32 $0x8, s4;
	p0 =	sgt.s32 s6, $0x0  }
0x51: {  	s4 =	smov.u32 s12;
	s3 =	simm.s32 @p0 $0x0;
	p0 =	sgt.s32 s12, $0x200  }
0x52: {  	s7 =	rddreg [dreg:$0x3];
	s6 =	sand.u32 s24, s12;
	s4 =	simm.s32 @!p0 $0x200  }
0x53: {  	s5 =	sand.u32 $0x4000, s5;
	s0 =	sshrl.u32 s0, $0x9;
	s25 =	ssub.s32 s4, s6  }
0x54: {  	s27 =	smul.u32 $0x280, s15;
	s0 =	sand.u32 $0x7, s0;
	s4 =	sadd.s32 $0xFFFFFE00, s25  }
0x55: {  	s2 =	smul.u32 s3, s2;
	s3 =	ssub.s32 $0x280, s25;
	p0 =	sgt.s32 s4, $0x7F  }
0x56: {  	s0 =	smul.u32 $0x50, s0;
	s6 =	sadd.s32 s7, s26;
	s3 =	simm.s32 @p0 $0x0  }
0x57: {  	s29 =	sand.u32 $0x7, s1;
	s28 =	sadd.s32 s27, s6;
	s2 =	smul.u32 s3, s2  }
0x58: {  	s1 =	sshrl.u32 s1, $0x3;
	s30 =	sshll.u32 s29, $0x12;
	s0 =	sadd.s32 s0, s28  }
0x59: {  	s31 =	sor.u32 $0x80, s30;
	s0 =	sadd.s32 s1, s0;
	s2 =	sand.u32 $0x3FFFFFFF, s2  }
0x5a: {  	[tilespmem:s5], [sflag:$0x1] =	stream.strided.gather [hbm4b:s0+s31], s2, s16, s31, $0x38;
	[tilespmem:$0x10000] =	vst v63  }
.LBB1_3:
0x5b: {  	p0 =	seq.s32 s10, $0x0  }
0x5c: {  	p1 =	seq.s32 @!p0 s10, $0x1A  }
0x5d: {  	p0 =	por p0, p1  }
.Ltmp3:
0x5e: {  	_ = 	snop;
	(pc) =	sbr.rel @p0 .LBB1_19-.Ltmp3, $1  }
0x5f: {  	_ =	sdelay $0x3  }
0x60: {  	[dreg:$0xa] =	wrdreg s23  }
0x61: {  	p0 =	sgt.s32 s18, $0x4;
	s0 =	smov.u32 s18;
	s1 =	sshra.s32 s18, $0x1F  }
0x62: {  	s2 =	smov.u32 s11;
	s3 =	sshra.s32 s11, $0x1F;
	p2 =	sgt.s32 s17, $0x7  }
0x63: {  	s25 =	sshra.s32 s17, $0x1F;
	s27 =	sshra.s32 s8, $0x1F;
	s0 =	simm.s32 @!p0 $0x4  }
0x64: {  	s1 =	sand.u32 s1, s18;
	p0 =	sgt.s32 s11, $0x160;
	s23 =	sand.u32 s3, s11  }
0x65: {  	s3 =	sand.u32 s25, s17;
	s0 =	ssub.s32 s0, s1;
	s2 =	simm.s32 @!p0 $0x160  }
0x66: {  	s24 =	sadd.s32 $0xFFFFFFFC, s0;
	s1 =	ssub.s32 s2, s23;
	s0 =	ssub.s32 $0x5, s0  }
0x67: {  	p0 =	sgt.s32 s24, $0x0;
	s2 =	sadd.s32 $0xFFFFFEA0, s1;
	s1 =	ssub.s32 $0x1E0, s1  }
0x68: {  	p1 =	sgt.s32 s2, $0x7F;
	s2 =	smov.u32 s17;
	s0 =	simm.s32 @p0 $0x0  }
0x69: {  	s2 =	simm.s32 @!p2 $0x7;
	s1 =	simm.s32 @p1 $0x0;
	p1 =	sgt.s32 s8, $0x200  }
0x6a: {  	s2 =	ssub.s32 s2, s3;
	s0 =	smul.u32 s0, s1;
	s1 =	smov.u32 s8  }
0x6b: {  	s3 =	sand.u32 s27, s8;
	s26 =	sadd.s32 $0xFFFFFFF9, s2;
	s1 =	simm.s32 @!p1 $0x200  }
0x6c: {  	s2 =	ssub.s32 $0x8, s2;
	p0 =	sgt.s32 s26, $0x0;
	s1 =	ssub.s32 s1, s3  }
0x6d: {  	s2 =	simm.s32 @p0 $0x0;
	s28 =	sadd.s32 $0xFFFFFE00, s1;
	s1 =	ssub.s32 $0x280, s1  }
0x6e: {  	s0 =	smul.u32 s2, s0;
	p0 =	sgt.s32 s28, $0x7F;
	s2 =	sadd.s32 $0x1, s18  }
0x6f: {  	s3 =	sadd.s32 $0x80, s11;
	s1 =	simm.s32 @p0 $0x0;
	p0 =	slt.s32 s2, $0x5  }
0x70: {  	s0 =	smul.u32 s1, s0;
	s2 =	simm.s32 @!p0 $0x5;
	p0 =	slt.s32 s3, $0x1E0  }
0x71: {  	s1 =	sadd.s32 $0x1, s17;
	s23 =	ssub.s32 s2, s18;
	s3 =	simm.s32 @!p0 $0x1E0  }
0x72: {  	p1 =	slt.s32 s1, $0x8;
	s24 =	ssub.s32 s3, s11;
	p0 =	slt.s32 s23, $0x1  }
0x73: {  	s1 =	simm.s32 @!p1 $0x8;
	p1 =	slt.s32 @!p0 s24, $0x1  }
0x74: {  	[dreg:$0x9] =	wrdreg s22;
	s25 =	ssub.s32 s1, s17;
	p1 =	por p0, p1  }
0x75: {  	[dreg:$0x8] =	wrdreg s21;
	p2 =	slt.s32 @!p1 s25, $0x1  }
0x76: {  	[dreg:$0x7] =	wrdreg s18;
	p1 =	por p1, p2  }
.Ltmp4:
0x77: {  	[dreg:$0x6] =	wrdreg s17;
	s29 =	sand.u32 $0x3FFFFFFF, s0;
	(pc) =	sbr.rel @p1 .LBB1_18-.Ltmp4, $4  }
0x78: {  	s30 =	simm.s32 $0x1;
	[dreg:$0xb] =	wrdreg s29  }
0x79: {  	_ =	swait.ge [sflag:s30], s29  }
0x7a: {  	s31 =	sshll.u32 s10, $0xE;
	s0 =	ssub.s32 $0x0, s29;
	[sflag:s30] =	ssyncset.done $0x0  }
0x7b: {  	s22 =	sand.u32 $0x4000, s31;
	[sflag:s30] =	ssyncadd.s32 s0  }
0x7c: {  	s0 =	sadd.s32 $0x80, s8  }
0x7d: {  	p1 =	slt.s32 s0, $0x280  }
.Ltmp5:
0x7e: {  	s0 =	simm.s32 @!p1 $0x280;
	(pc) =	sbr.rel .LBB1_6-.Ltmp5, $4  }
0x7f: {  	s0 =	ssub.s32 s0, s8  }
0x80: {  	s28 =	sor.u32 @!p0 $0x8000, s22;
	s30 =	simm.s32 $0x0;
	s0 =	sadd.s32 $0xF, s0  }
0x81: {  	s26 =	sand.u32 $0xFFFFFFF0, s0;
	s1 =	sshll.u32 s0, $0x3;
	s27 =	sand.u32 @!p0 $0xFFFFFF00, s0  }
0x82: {  	p0 =	slt.s32 s0, $0x100;
	s29 =	sand.u32 $0xFFFFF800, s1;
	p1 =	sge.s32 s27, s26  }
.LBB1_17:
0x83: {  	s30 =	sadd.s32 $0x1, s30  }
0x84: {  	p2 =	sne.s32 s30, s23  }
.Ltmp6:
0x85: {  	_ = 	snop;
	(pc) =	sbr.rel @!p2 .LBB1_18-.Ltmp6, $1  }
0x86: {  	_ =	sdelay $0x3  }
.LBB1_6:
.Ltmp7:
0x87: {  	(pc) =	sbr.rel .LBB1_7-.Ltmp7, $4  }
0x88: {  	_ = 	snop  }
0x89: {  	s0 =	sshll.u32 s30, $0x10  }
0x8a: {  	s0 =	sshra.s32 s0, $0x2  }
0x8b: {  	s16 =	simm.s32 $0x400;
	s1 =	simm.s32 $0x0;
	s31 =	sadd.s32 s0, s22  }
.LBB1_16:
0x8c: {  	s1 =	sadd.s32 $0x1, s1  }
0x8d: {  	p2 =	sne.s32 s1, s24  }
.Ltmp8:
0x8e: {  	_ = 	snop;
	(pc) =	sbr.rel @!p2 .LBB1_17-.Ltmp8, $2  }
0x8f: {  	_ =	sdelay $0x2  }
0x90: {  	s16 =	sadd.s32 $0x80, s16  }
.LBB1_7:
.Ltmp9:
0x91: {  	(pc) =	sbr.rel .LBB1_8-.Ltmp9, $4  }
0x92: {  	_ = 	snop  }
0x93: {  	s2 =	sshll.u32 s1, $0x7;
	s0 =	sshll.u32 s1, $0x9  }
0x94: {  	s5 =	simm.s32 $0x0;
	s4 =	sand.u32 $0x380, s2;
	s0 =	sshra.s32 s0, $0x2  }
0x95: {  	s7 =	sadd.s32 s2, s31;
	s3 =	sadd.s32 s0, s31;
	s4 =	sadd.s32 s4, s28  }
.LBB1_15:
0x96: {  	s5 =	sadd.s32 $0x1, s5  }
0x97: {  	p2 =	sne.s32 s5, s25  }
.Ltmp10:
0x98: {  	_ = 	snop;
	(pc) =	sbr.rel @!p2 .LBB1_16-.Ltmp10, $1  }
0x99: {  	_ =	sdelay $0x3  }
.LBB1_8:
.Ltmp11:
0x9a: {  	(pc) =	sbr.rel @p0 .LBB1_12-.Ltmp11, $2  }
0x9b: {  	_ =	sdelay $0x2  }
0x9c: {  	s6 =	sshll.u32 s5, $0x7;
	s21 =	sadd.s32 s30, s5  }
0x9d: {  	s0 =	sshll.u32 s21, $0x10  }
0x9e: {  	s9 =	sand.u32 $0x380, s6;
	s0 =	sshra.s32 s0, $0x2  }
0x9f: {  	s17 =	sadd.s32 s9, s7;
	s0 =	sadd.s32 s0, s4  }
0xa0: {  	v6 =	vld [tilespmem:s17+$0x70];
	v0 =	vmov s0  }
0xa1: {  	v7 =	vld [tilespmem:s17+$0x0]  }
0xa2: {  	v8 =	vld [tilespmem:s17+$0x10]  }
0xa3: {  	v1 =	vld [tilespmem:s17+$0x20]  }
0xa4: {  	s18 =	sadd.s32 $0xFFFFFC00, s16;
	s9 =	sand.u32 $0x3C00, s16;
	v2 =	vld [tilespmem:s17+$0x30]  }
0xa5: {  	v3 =	vld [tilespmem:s17+$0x40];
	s0 =	sand.u32 $0x3C00, s18;
	[tilespmem:v0+s9+$0x70 ss:$0x1] =	vst.idx.msk $0xffff, v6  }
0xa6: {  	v5 =	vld [tilespmem:s17+$0x50];
	[tilespmem:v0+s0+$0x0 ss:$0x1] =	vst.idx.msk $0xffff, v7  }
0xa7: {  	v4 =	vld [tilespmem:s17+$0x60];
	[tilespmem:v0+s0+$0x10 ss:$0x1] =	vst.idx.msk $0xffff, v8  }
0xa8: {  	[tilespmem:v0+s0+$0x20 ss:$0x1] =	vst.idx.msk $0xffff, v1  }
0xa9: {  	[tilespmem:v0+s0+$0x30 ss:$0x1] =	vst.idx.msk $0xffff, v2  }
0xaa: {  	p2 =	sgt.s32 s27, $0x100;
	[tilespmem:v0+s0+$0x40 ss:$0x1] =	vst.idx.msk $0xffff, v3  }
.Ltmp12:
0xab: {  	[tilespmem:v0+s0+$0x50 ss:$0x1] =	vst.idx.msk $0xffff, v5;
	(pc) =	sbr.rel @!p2 .LBB1_11-.Ltmp12, $4  }
0xac: {  	[tilespmem:v0+s0+$0x60 ss:$0x1] =	vst.idx.msk $0xffff, v4  }
0xad: {  	[tilespmem:v0+s0+$0x70 ss:$0x1] =	vst.idx.msk $0xffff, v6  }
0xae: {  	[tilespmem:v0+s9+$0x0 ss:$0x1] =	vst.idx.msk $0xffff, v7  }
0xaf: {  	s13 =	simm.s32 $0x100;
	[tilespmem:v0+s9+$0x10 ss:$0x1] =	vst.idx.msk $0xffff, v8;
	s0 =	smov.u32 s16  }
.LBB1_10:
0xb0: {  	v6 =	vld [tilespmem:s17+$0x70];
	s13 =	sadd.s32 $0x100, s13;
	[tilespmem:v0+s9+$0x20 ss:$0x1] =	vst.idx.msk $0xffff, v1  }
0xb1: {  	v7 =	vld [tilespmem:s17+$0x0];
	p2 =	slt.s32 s13, s27;
	[tilespmem:v0+s9+$0x30 ss:$0x1] =	vst.idx.msk $0xffff, v2  }
0xb2: {  	v8 =	vld [tilespmem:s17+$0x10];
	[tilespmem:v0+s9+$0x40 ss:$0x1] =	vst.idx.msk $0xffff, v3  }
0xb3: {  	s0 =	sadd.s32 $0x800, s0;
	v1 =	vld [tilespmem:s17+$0x20];
	[tilespmem:v0+s9+$0x50 ss:$0x1] =	vst.idx.msk $0xffff, v5  }
0xb4: {  	s18 =	sadd.s32 $0xFFFFFC00, s0;
	v2 =	vld [tilespmem:s17+$0x30];
	[tilespmem:v0+s9+$0x60 ss:$0x1] =	vst.idx.msk $0xffff, v4;
	s9 =	sand.u32 $0x3C00, s0  }
0xb5: {  	s18 =	sand.u32 $0x3C00, s18;
	v3 =	vld [tilespmem:s17+$0x40];
	[tilespmem:v0+s9+$0x70 ss:$0x1] =	vst.idx.msk $0xffff, v6  }
0xb6: {  	[tilespmem:v0+s18+$0x0 ss:$0x1] =	vst.idx.msk $0xffff, v7;
	v5 =	vld [tilespmem:s17+$0x50]  }
0xb7: {  	[tilespmem:v0+s18+$0x10 ss:$0x1] =	vst.idx.msk $0xffff, v8;
	v4 =	vld [tilespmem:s17+$0x60]  }
0xb8: {  	[tilespmem:v0+s18+$0x20 ss:$0x1] =	vst.idx.msk $0xffff, v1  }
0xb9: {  	[tilespmem:v0+s18+$0x30 ss:$0x1] =	vst.idx.msk $0xffff, v2  }
0xba: {  	[tilespmem:v0+s18+$0x40 ss:$0x1] =	vst.idx.msk $0xffff, v3  }
.Ltmp13:
0xbb: {  	[tilespmem:v0+s18+$0x50 ss:$0x1] =	vst.idx.msk $0xffff, v5;
	(pc) =	sbr.rel @p2 .LBB1_10-.Ltmp13, $4  }
0xbc: {  	[tilespmem:v0+s18+$0x60 ss:$0x1] =	vst.idx.msk $0xffff, v4  }
0xbd: {  	[tilespmem:v0+s18+$0x70 ss:$0x1] =	vst.idx.msk $0xffff, v6  }
0xbe: {  	[tilespmem:v0+s9+$0x0 ss:$0x1] =	vst.idx.msk $0xffff, v7  }
0xbf: {  	[tilespmem:v0+s9+$0x10 ss:$0x1] =	vst.idx.msk $0xffff, v8  }
.LBB1_11:
0xc0: {  	_ =	sdelay $0x3  }
0xc1: {  	[tilespmem:v0+s9+$0x20 ss:$0x1] =	vst.idx.msk $0xffff, v1  }
0xc2: {  	[tilespmem:v0+s9+$0x30 ss:$0x1] =	vst.idx.msk $0xffff, v2  }
0xc3: {  	[tilespmem:v0+s9+$0x40 ss:$0x1] =	vst.idx.msk $0xffff, v3  }
0xc4: {  	[tilespmem:v0+s9+$0x50 ss:$0x1] =	vst.idx.msk $0xffff, v5  }
0xc5: {  	[tilespmem:v0+s9+$0x60 ss:$0x1] =	vst.idx.msk $0xffff, v4  }
.LBB1_12:
.Ltmp14:
0xc6: {  	(pc) =	sbr.rel @p1 .LBB1_15-.Ltmp14, $1  }
0xc7: {  	_ =	sdelay $0x3  }
0xc8: {  	s0 =	sand.u32 $0x380, s6  }
0xc9: {  	s9 =	sadd.s32 s0, s3  }
0xca: {  	v0 =	vmov s9  }
0xcb: {  	s18 =	sshll.u32 s21, $0x10  }
0xcc: {  	s21 =	sshra.s32 s18, $0x2  }
0xcd: {  	s6 =	smov.u32 s29;
	s0 =	sadd.s32 s21, s4;
	s9 =	smov.u32 s27  }
.LBB1_14:
0xce: {  	s13 =	sand.u32 $0x70, s9;
	s9 =	sadd.s32 $0x10, s9  }
0xcf: {  	s17 =	sand.u32 $0x3C00, s6;
	v1 =	vld.idx.msk [tilespmem:v0+s13+$0x0 ss:$0x1], $0xffff;
	p2 =	slt.s32 s9, s26  }
.Ltmp15:
0xd0: {  	s17 =	sadd.s32 s2, s17;
	(pc) =	sbr.rel @p2 .LBB1_14-.Ltmp15, $4  }
0xd1: {  	s17 =	sand.u32 $0x3C00, s17  }
0xd2: {  	s17 =	sadd.s32 s17, s0  }
0xd3: {  	s13 =	sadd.s32 s13, s17  }
0xd4: {  	s6 =	sadd.s32 $0x80, s6;
	[tilespmem:s13+$0x0] =	vst v1  }
.Ltmp16:
0xd5: {  	_ = 	snop;
	(pc) =	sbr.rel .LBB1_15-.Ltmp16, $1  }
0xd6: {  	_ =	sdelay $0x3  }
.LBB1_20:
0xd7: {  	_ =	sfence.sel $0x180000  }
0xd8: {  	s0 =	simm.s32 $0x1;
	[bflag:$0x0] =	sbarrier.arrive $0xFFFF  }
0xd9: {  	s30 =	simm.s32 $0x2;
	[sflag:s0] =	ssyncpa.u1 $0x1  }
0xda: {  	[sflag:s30] =	ssyncpa.u1 $0x1  }
0xdb: {  	_ =	strace $0x9000004A  }
0xdc: {  	s31 =	stileid.u32;
	[bflag:$0x2] =	sbarrier.arrive $0xFFFF  }
0xdd: {  	p0 =	sne.s32 s31, $0x0;
	s0 =	rddreg [dreg:$0x2]  }
0xde: {  	s0 =	sadd.s32 @!p0 $0x100000, s0  }
0xdf: {  	[sflag:s0] =	ssyncadd.tile.s32 @!p0 $0x1;
	_ =	shalt  }
.Lfunc_end1:
_tile_overlayer_lowered:
.L_overlay_start_2:
0xe0: {  	(tag) =	ssettag $0x2  }
0xe1: {  	s0 =	rddreg [dreg:$0x0];
	s2 =	stileid.u32  }
0xe2: {  	s1 =	rddreg [dreg:$0x1];
	p0 =	sne.s32 s2, $0x0  }
0xe3: {  	s3 =	rddreg [dreg:$0x2];
	[bflag:$0x3] =	sbarrier.arrive $0xFFFF;
	s2 =	simm.s32 @!p0 $0x1C01  }
0xe4: {  	[timem:s3], [sflag:s2] =	dma.local @!p0 [hbm:s0], s1  }
0xe5: {  	s0 =	simm.s32 @!p0 $0x1  }
0xe6: {  	_ =	swait.ge @!p0 [sflag:s0], s1  }
0xe7: {  	s1 =	ssub.s32 @!p0 $0x0, s1;
	[sflag:s0] =	ssyncset.done @!p0 $0x0  }
0xe8: {  	[sflag:s0] =	ssyncadd.s32 @!p0 s1  }
0xe9: {  	[bflag:$0x3] =	sbarrier.arrive $0xFFFF  }
0xea: {  	_ =	shalt  }

</sc_bundles>
